<compile_context>
chip_gen: v7x
topology: tpu7x:2x2x1
jax: 0.10.2.dev20260603
libtpu: 0.0.44.dev20260713+nightly
codegen_flags: <defaults>
</compile_context>

<pallas_src>
import jax
import jax.numpy as jnp
import numpy as np
from jax import lax
from jax.experimental import pallas as pl
from jax.experimental.pallas import tpu as pltpu

B = 1024
N_FIELDS = 26
EMB_DIM = 32
D_CAT = 224
TRIU = D_CAT * (D_CAT + 1) // 2
CHUNK = 512
N_CHUNKS = 49
STREAM_END = N_CHUNKS * CHUNK


def _row_off(i):
    return D_CAT * i - (i * (i - 1)) // 2


def _segments(k0, k1):
    segs = []
    for i in range(D_CAT):
        lo = max(_row_off(i), k0)
        hi = min(_row_off(i) + D_CAT - i, k1)
        if lo < hi:
            segs.append((i, i + (lo - _row_off(i)), i + (hi - _row_off(i))))
    return segs


def _select_mats():
    su = np.zeros((STREAM_END, D_CAT), np.float32)
    sv = np.zeros((STREAM_END, D_CAT), np.float32)
    k = 0
    for i in range(D_CAT):
        w = D_CAT - i
        for j in range(i, D_CAT):
            if k >= STREAM_END:
                break
            su[k, i] = 1.0
            sv[k, j] = 1.0
            k += 1
    return su, sv


_SU, _SV = _select_mats()


def _dot_t(x, w):
    return lax.dot_general(x, w, (((1,), (1,)), ((), ())),
                           preferred_element_type=jnp.float32)


def _prologue_body(rows_ref, xe_ref, xd_ref,
                   pj_w1_ref, pj_b1_ref, pj_w2_ref, pj_b2_ref,
                   pj_g_ref, pj_bt_ref,
                   bm_w1_ref, bm_b1_ref, bm_w2_ref, bm_b2_ref,
                   w1tail_ref, tm_b1_ref,
                   xemb_ref, c_ref, acc0_ref):
    h = jnp.maximum(_dot_t(xe_ref[...], pj_w1_ref[...]) + pj_b1_ref[...], 0.0)
    h = _dot_t(h, pj_w2_ref[...]) + pj_b2_ref[...]
    mean = jnp.mean(h, axis=0, keepdims=True)
    var = jnp.mean((h - mean) * (h - mean), axis=0, keepdims=True)
    x_embed = (pj_g_ref[...] * (h - mean) * lax.rsqrt(var + 1e-5)
               + pj_bt_ref[...])
    xemb_ref[...] = x_embed

    bot = jnp.maximum(_dot_t(xd_ref[...], bm_w1_ref[...]) + bm_b1_ref[...],
                      0.0)
    bot = jnp.maximum(_dot_t(bot, bm_w2_ref[...]) + bm_b2_ref[...], 0.0)

    r_mod = jax.lax.broadcasted_iota(jnp.int32,
                                     (N_FIELDS * EMB_DIM, EMB_DIM), 0)
    c_id = jax.lax.broadcasted_iota(jnp.int32,
                                    (N_FIELDS * EMB_DIM, EMB_DIM), 1)
    sel = (r_mod % EMB_DIM == c_id).astype(jnp.float32)
    embed_x = lax.dot_general(rows_ref[...], sel, (((1,), (0,)), ((), ())),
                              preferred_element_type=jnp.float32)

    c = jnp.concatenate([bot, x_embed, embed_x], axis=1)
    c_ref[...] = c

    segs = [c[:, i:i + 1] * c[:, jl:jh]
            for i, jl, jh in _segments(STREAM_END, TRIU)]
    segs.append(bot)
    tail_prod = jnp.concatenate(segs, axis=1)
    acc0_ref[...] = _dot_t(tail_prod, w1tail_ref[...]) + tm_b1_ref[...]


def _interact_body(c_ref, su_ref, sv_ref, w1_ref, acc_ref):
    g = pl.program_id(0)
    c = c_ref[...]
    cu = _dot_t(c, su_ref[...])
    cv = _dot_t(c, sv_ref[...])
    d = _dot_t(cu * cv, w1_ref[...])

    @pl.when(g == 0)
    def _init():
        acc_ref[...] = d

    @pl.when(g != 0)
    def _accum():
        acc_ref[...] = acc_ref[...] + d


def _epilogue_body(acc_ref, acc0_ref, tm_w2_ref, tm_b2_ref,
                   tm_w3_ref, tm_b3_ref, out_ref):
    t = jnp.maximum(acc_ref[...] + acc0_ref[...], 0.0)
    t = jnp.maximum(_dot_t(t, tm_w2_ref[...]) + tm_b2_ref[...], 0.0)
    logit = _dot_t(t, tm_w3_ref[...])[:, 0:1] + tm_b3_ref[0, 0]
    out_ref[...] = jax.nn.sigmoid(logit)


def kernel(x_sparse, x_dense, x_embed_before_projection, emb_table,
           pj_w1, pj_b1, pj_w2, pj_b2, pj_gamma, pj_beta,
           bm_w1, bm_b1, bm_w2, bm_b2,
           tm_w1, tm_b1, tm_w2, tm_b2, tm_w3, tm_b3):
    rows = jnp.take(emb_table, x_sparse.astype(jnp.int32).reshape(-1),
                    axis=0)
    rows832 = rows.reshape(B, N_FIELDS * EMB_DIM)

    vmem = pl.BlockSpec(memory_space=pltpu.VMEM)

    xemb, c, acc0 = pl.pallas_call(
        _prologue_body,
        out_shape=(jax.ShapeDtypeStruct((B, 64), jnp.float32),
                   jax.ShapeDtypeStruct((B, D_CAT), jnp.float32),
                   jax.ShapeDtypeStruct((B, 512), jnp.float32)),
        in_specs=[vmem] * 15,
        out_specs=(vmem, vmem, vmem),
    )(rows832, x_embed_before_projection, x_dense,
      pj_w1, pj_b1.reshape(1, -1), pj_w2, pj_b2.reshape(1, -1),
      pj_gamma.reshape(1, -1), pj_beta.reshape(1, -1),
      bm_w1, bm_b1.reshape(1, -1), bm_w2, bm_b2.reshape(1, -1),
      tm_w1[:, STREAM_END:], tm_b1.reshape(1, -1))

    def full(shape):
        nd = len(shape)
        return pl.BlockSpec(shape, lambda g, _nd=nd: (0,) * _nd)

    acc = pl.pallas_call(
        _interact_body,
        grid=(N_CHUNKS,),
        out_shape=jax.ShapeDtypeStruct((B, 512), jnp.float32),
        in_specs=[
            full((B, D_CAT)),
            pl.BlockSpec((CHUNK, D_CAT), lambda g: (g, 0)),
            pl.BlockSpec((CHUNK, D_CAT), lambda g: (g, 0)),
            pl.BlockSpec((512, CHUNK), lambda g: (0, g)),
        ],
        out_specs=full((B, 512)),
    )(c, jnp.asarray(_SU), jnp.asarray(_SV), tm_w1)

    out, = pl.pallas_call(
        _epilogue_body,
        out_shape=(jax.ShapeDtypeStruct((B, 1), jnp.float32),),
        in_specs=[vmem, vmem, vmem, vmem, vmem,
                  pl.BlockSpec(memory_space=pltpu.SMEM)],
        out_specs=(vmem,),
    )(acc, acc0, tm_w2, tm_b2.reshape(1, -1),
      jnp.pad(tm_w3, ((0, 7), (0, 0))), tm_b3.reshape(1, 1))
    return (out, xemb)

# --- scband reference (transcript-rebuilt; emitter-appended) ---
"""Pipeline reference for scband-dlrm-88132728914087 (READ-ONLY COPY).

The authoritative reference and input builder live on the scoring server;
editing this copy changes nothing except your own understanding.
"""

import jax, jax.numpy as jnp
import numpy as np

B = 1024
VOCAB = 1000000
EMB_DIM = 32
N_FIELDS = 26
DENSE = 256
PRE = 512
PROJ = 64
BM = (256, 128)
TM = (512, 256)
PAD_IDX = 179


def _lin(key, out_d, in_d):
    kw, kb = jax.random.split(key)
    w = jax.random.normal(kw, (out_d, in_d), dtype=jnp.float32) / np.float32(np.sqrt(in_d))
    b = jax.random.normal(kb, (out_d,), dtype=jnp.float32) * 0.01
    return w, b


def setup_inputs(seed: int = 0):
    key = jax.random.key(seed)
    ks = jax.random.split(key, 12)
    x_sparse = jax.random.randint(ks[0], (B, N_FIELDS), 0, VOCAB)
    x_dense = jax.random.normal(ks[1], (B, DENSE), dtype=jnp.float32)
    x_embed_before_projection = jax.random.normal(ks[2], (B, PRE), dtype=jnp.float32)
    emb_table = (jax.random.normal(ks[3], (VOCAB, EMB_DIM), dtype=jnp.float32) * 0.01).at[PAD_IDX].set(0.0)
    pj_w1, pj_b1 = _lin(ks[4], 256, PRE)
    pj_w2, pj_b2 = _lin(ks[5], PROJ, 256)
    pj_gamma = jnp.ones((PROJ,), jnp.float32)
    pj_beta = jnp.zeros((PROJ,), jnp.float32)
    bm_w1, bm_b1 = _lin(ks[6], BM[0], DENSE)
    bm_w2, bm_b2 = _lin(ks[7], BM[1], BM[0])
    all_dim = EMB_DIM + BM[1] + PROJ
    out_dim = all_dim * (all_dim + 1) // 2 + BM[1]
    tm_w1, tm_b1 = _lin(ks[8], TM[0], out_dim)
    tm_w2, tm_b2 = _lin(ks[9], TM[1], TM[0])
    tm_w3, tm_b3 = _lin(ks[10], 1, TM[1])
    return {
        "x_sparse": x_sparse,
        "x_dense": x_dense,
        "x_embed_before_projection": x_embed_before_projection,
        "emb_table": emb_table,
        "pj_w1": pj_w1, "pj_b1": pj_b1, "pj_w2": pj_w2, "pj_b2": pj_b2,
        "pj_gamma": pj_gamma, "pj_beta": pj_beta,
        "bm_w1": bm_w1, "bm_b1": bm_b1, "bm_w2": bm_w2, "bm_b2": bm_b2,
        "tm_w1": tm_w1, "tm_b1": tm_b1, "tm_w2": tm_w2, "tm_b2": tm_b2,
        "tm_w3": tm_w3, "tm_b3": tm_b3,
    }


def reference(x_sparse, x_dense, x_embed_before_projection, emb_table,
              pj_w1, pj_b1, pj_w2, pj_b2, pj_gamma, pj_beta,
              bm_w1, bm_b1, bm_w2, bm_b2,
              tm_w1, tm_b1, tm_w2, tm_b2, tm_w3, tm_b3):
    # embedding lookup + sum-pool over the 26 multi-hot indices
    embed_x = jnp.take(emb_table, x_sparse, axis=0).sum(axis=1)  # [B, EMB_DIM]
    # projection_model = ContrastiveNet(512, 64): Linear -> ReLU -> Linear -> BatchNorm1d (train mode, batch stats)
    h = jax.nn.relu(x_embed_before_projection @ pj_w1.T + pj_b1)
    h = h @ pj_w2.T + pj_b2
    mean = h.mean(axis=0)
    var = h.var(axis=0)  # biased, matches torch BN normalization
    x_embed = pj_gamma * (h - mean) / jnp.sqrt(var + 1e-5) + pj_beta  # [B, PROJ]
    # bottom MLP (dropout_prob=0.0 -> identity)
    bot = jax.nn.relu(x_dense @ bm_w1.T + bm_b1)
    bot = jax.nn.relu(bot @ bm_w2.T + bm_b2)  # [B, BM[1]]
    concat_first = jnp.concatenate([bot, x_embed, embed_x], axis=-1)  # [B, all_dim]
    d = concat_first.shape[1]
    iu, ju = jnp.triu_indices(d)
    # upper-triangular (incl. diagonal) of per-sample outer product, row-major order
    interaction = concat_first[:, iu] * concat_first[:, ju]  # [B, d*(d+1)//2]
    concat_second = jnp.concatenate([interaction, bot], axis=-1)
    t = jax.nn.relu(concat_second @ tm_w1.T + tm_b1)
    t = jax.nn.relu(t @ tm_w2.T + tm_b2)
    out = jax.nn.sigmoid(t @ tm_w3.T + tm_b3)  # [B, 1] (squeeze/unsqueeze round-trips to [B,1])
    return (out, x_embed)

if __name__ == "__main__":
    import jax
    _d = setup_inputs()
    print(jax.jit(kernel)(*tuple(_d.values())))

</pallas_src>

<mosaic_0001>
module attributes {stable_mosaic.version = 14 : i64} {
  func.func @_prologue_body(%arg0: memref<1024x832xf32, #tpu.memory_space<vmem>>, %arg1: memref<1024x512xf32, #tpu.memory_space<vmem>>, %arg2: memref<1024x256xf32, #tpu.memory_space<vmem>>, %arg3: memref<256x512xf32, #tpu.memory_space<vmem>>, %arg4: memref<1x256xf32, #tpu.memory_space<vmem>>, %arg5: memref<64x256xf32, #tpu.memory_space<vmem>>, %arg6: memref<1x64xf32, #tpu.memory_space<vmem>>, %arg7: memref<1x64xf32, #tpu.memory_space<vmem>>, %arg8: memref<1x64xf32, #tpu.memory_space<vmem>>, %arg9: memref<256x256xf32, #tpu.memory_space<vmem>>, %arg10: memref<1x256xf32, #tpu.memory_space<vmem>>, %arg11: memref<128x256xf32, #tpu.memory_space<vmem>>, %arg12: memref<1x128xf32, #tpu.memory_space<vmem>>, %arg13: memref<512x240xf32, #tpu.memory_space<vmem>>, %arg14: memref<1x512xf32, #tpu.memory_space<vmem>>, %arg15: memref<1024x64xf32, #tpu.memory_space<vmem>>, %arg16: memref<1024x224xf32, #tpu.memory_space<vmem>>, %arg17: memref<1024x512xf32, #tpu.memory_space<vmem>>) attributes {dimension_semantics = [], scalar_prefetch = 0 : i64, scratch_operands = 0 : i64, tpu.core_type = #tpu.core_type<tc>} {
    %get3A = arith.constant 0 : index
    %get3A_0 = arith.constant 0 : index
    %get3A_1 = vector.load %arg1[%get3A, %get3A_0] : memref<1024x512xf32, #tpu.memory_space<vmem>>, vector<1024x512xf32>
    %get3A_2 = arith.constant 0 : index
    %get3A_3 = arith.constant 0 : index
    %get3A_4 = vector.load %arg3[%get3A_2, %get3A_3] : memref<256x512xf32, #tpu.memory_space<vmem>>, vector<256x512xf32>
    %dot_general3A = arith.constant dense<0.000000e+00> : vector<1024x256xf32>
    %dot_general3A_5 = tpu.matmul %get3A_1, %get3A_4, %dot_general3A {dimension_numbers = #tpu.dot_dimension_numbers<[1], [1], [0], [0], [0, 0, 1, 0], [], []>, transpose_lhs_hint = false} : vector<1024x512xf32>, vector<256x512xf32>, vector<1024x256xf32> -> vector<1024x256xf32>
    %get3A_6 = arith.constant 0 : index
    %get3A_7 = arith.constant 0 : index
    %get3A_8 = vector.load %arg4[%get3A_6, %get3A_7] : memref<1x256xf32, #tpu.memory_space<vmem>>, vector<1x256xf32>
    %add3A = vector.broadcast %get3A_8 : vector<1x256xf32> to vector<1024x256xf32>
    %add3A_9 = arith.addf %dot_general3A_5, %add3A : vector<1024x256xf32>
    %max3A = arith.constant 0.000000e+00 : f32
    %max3A_10 = vector.broadcast %max3A : f32 to vector<1024x256xf32>
    %max3A_11 = arith.maximumf %add3A_9, %max3A_10 : vector<1024x256xf32>
    %get3A_12 = arith.constant 0 : index
    %get3A_13 = arith.constant 0 : index
    %get3A_14 = vector.load %arg5[%get3A_12, %get3A_13] : memref<64x256xf32, #tpu.memory_space<vmem>>, vector<64x256xf32>
    %dot_general3A_15 = arith.constant dense<0.000000e+00> : vector<1024x64xf32>
    %dot_general3A_16 = tpu.matmul %max3A_11, %get3A_14, %dot_general3A_15 {dimension_numbers = #tpu.dot_dimension_numbers<[1], [1], [0], [0], [0, 0, 1, 0], [], []>, transpose_lhs_hint = false} : vector<1024x256xf32>, vector<64x256xf32>, vector<1024x64xf32> -> vector<1024x64xf32>
    %get3A_17 = arith.constant 0 : index
    %get3A_18 = arith.constant 0 : index
    %get3A_19 = vector.load %arg6[%get3A_17, %get3A_18] : memref<1x64xf32, #tpu.memory_space<vmem>>, vector<1x64xf32>
    %add3A_20 = vector.broadcast %get3A_19 : vector<1x64xf32> to vector<1024x64xf32>
    %add3A_21 = arith.addf %dot_general3A_16, %add3A_20 : vector<1024x64xf32>
    %reduce_sum3A = arith.constant dense<0.000000e+00> : vector<64xf32>
    %reduce_sum3A_22 = vector.multi_reduction <add>, %add3A_21, %reduce_sum3A [0] : vector<1024x64xf32> to vector<64xf32>
    %broadcast_in_dim3A = vector.shape_cast %reduce_sum3A_22 : vector<64xf32> to vector<1x64xf32>
    %div3A = arith.constant 1.024000e+03 : f32
    %div3A_23 = vector.broadcast %div3A : f32 to vector<1x64xf32>
    %div3A_24 = arith.divf %broadcast_in_dim3A, %div3A_23 : vector<1x64xf32>
    %sub3A = vector.broadcast %div3A_24 : vector<1x64xf32> to vector<1024x64xf32>
    %sub3A_25 = arith.subf %add3A_21, %sub3A : vector<1024x64xf32>
    %sub3A_26 = vector.broadcast %div3A_24 : vector<1x64xf32> to vector<1024x64xf32>
    %sub3A_27 = arith.subf %add3A_21, %sub3A_26 : vector<1024x64xf32>
    %mul3A = arith.mulf %sub3A_25, %sub3A_27 : vector<1024x64xf32>
    %reduce_sum3A_28 = arith.constant dense<0.000000e+00> : vector<64xf32>
    %reduce_sum3A_29 = vector.multi_reduction <add>, %mul3A, %reduce_sum3A_28 [0] : vector<1024x64xf32> to vector<64xf32>
    %broadcast_in_dim3A_30 = vector.shape_cast %reduce_sum3A_29 : vector<64xf32> to vector<1x64xf32>
    %div3A_31 = arith.constant 1.024000e+03 : f32
    %div3A_32 = vector.broadcast %div3A_31 : f32 to vector<1x64xf32>
    %div3A_33 = arith.divf %broadcast_in_dim3A_30, %div3A_32 : vector<1x64xf32>
    %get3A_34 = arith.constant 0 : index
    %get3A_35 = arith.constant 0 : index
    %get3A_36 = vector.load %arg7[%get3A_34, %get3A_35] : memref<1x64xf32, #tpu.memory_space<vmem>>, vector<1x64xf32>
    %sub3A_37 = vector.broadcast %div3A_24 : vector<1x64xf32> to vector<1024x64xf32>
    %sub3A_38 = arith.subf %add3A_21, %sub3A_37 : vector<1024x64xf32>
    %mul3A_39 = vector.broadcast %get3A_36 : vector<1x64xf32> to vector<1024x64xf32>
    %mul3A_40 = arith.mulf %mul3A_39, %sub3A_38 : vector<1024x64xf32>
    %add3A_41 = arith.constant 9.99999974E-6 : f32
    %add3A_42 = vector.broadcast %add3A_41 : f32 to vector<1x64xf32>
    %add3A_43 = arith.addf %div3A_33, %add3A_42 : vector<1x64xf32>
    %rsqrt3A = math.rsqrt %add3A_43 : vector<1x64xf32>
    %mul3A_44 = vector.broadcast %rsqrt3A : vector<1x64xf32> to vector<1024x64xf32>
    %mul3A_45 = arith.mulf %mul3A_40, %mul3A_44 : vector<1024x64xf32>
    %get3A_46 = arith.constant 0 : index
    %get3A_47 = arith.constant 0 : index
    %get3A_48 = vector.load %arg8[%get3A_46, %get3A_47] : memref<1x64xf32, #tpu.memory_space<vmem>>, vector<1x64xf32>
    %add3A_49 = vector.broadcast %get3A_48 : vector<1x64xf32> to vector<1024x64xf32>
    %add3A_50 = arith.addf %mul3A_45, %add3A_49 : vector<1024x64xf32>
    %swap3A = arith.constant 0 : index
    %swap3A_51 = arith.constant 0 : index
    %swap3A_52 = vector.load %arg15[%swap3A, %swap3A_51] : memref<1024x64xf32, #tpu.memory_space<vmem>>, vector<1024x64xf32>
    tpu.vector_store %arg15[%swap3A, %swap3A_51], %add3A_50 {strides = array<i32>} : memref<1024x64xf32, #tpu.memory_space<vmem>>, vector<1024x64xf32>,
    %get3A_53 = arith.constant 0 : index
    %get3A_54 = arith.constant 0 : index
    %get3A_55 = vector.load %arg2[%get3A_53, %get3A_54] : memref<1024x256xf32, #tpu.memory_space<vmem>>, vector<1024x256xf32>
    %get3A_56 = arith.constant 0 : index
    %get3A_57 = arith.constant 0 : index
    %get3A_58 = vector.load %arg9[%get3A_56, %get3A_57] : memref<256x256xf32, #tpu.memory_space<vmem>>, vector<256x256xf32>
    %dot_general3A_59 = arith.constant dense<0.000000e+00> : vector<1024x256xf32>
    %dot_general3A_60 = tpu.matmul %get3A_55, %get3A_58, %dot_general3A_59 {dimension_numbers = #tpu.dot_dimension_numbers<[1], [1], [0], [0], [0, 0, 1, 0], [], []>, transpose_lhs_hint = false} : vector<1024x256xf32>, vector<256x256xf32>, vector<1024x256xf32> -> vector<1024x256xf32>
    %get3A_61 = arith.constant 0 : index
    %get3A_62 = arith.constant 0 : index
    %get3A_63 = vector.load %arg10[%get3A_61, %get3A_62] : memref<1x256xf32, #tpu.memory_space<vmem>>, vector<1x256xf32>
    %add3A_64 = vector.broadcast %get3A_63 : vector<1x256xf32> to vector<1024x256xf32>
    %add3A_65 = arith.addf %dot_general3A_60, %add3A_64 : vector<1024x256xf32>
    %max3A_66 = arith.constant 0.000000e+00 : f32
    %max3A_67 = vector.broadcast %max3A_66 : f32 to vector<1024x256xf32>
    %max3A_68 = arith.maximumf %add3A_65, %max3A_67 : vector<1024x256xf32>
    %get3A_69 = arith.constant 0 : index
    %get3A_70 = arith.constant 0 : index
    %get3A_71 = vector.load %arg11[%get3A_69, %get3A_70] : memref<128x256xf32, #tpu.memory_space<vmem>>, vector<128x256xf32>
    %dot_general3A_72 = arith.constant dense<0.000000e+00> : vector<1024x128xf32>
    %dot_general3A_73 = tpu.matmul %max3A_68, %get3A_71, %dot_general3A_72 {dimension_numbers = #tpu.dot_dimension_numbers<[1], [1], [0], [0], [0, 0, 1, 0], [], []>, transpose_lhs_hint = false} : vector<1024x256xf32>, vector<128x256xf32>, vector<1024x128xf32> -> vector<1024x128xf32>
    %get3A_74 = arith.constant 0 : index
    %get3A_75 = arith.constant 0 : index
    %get3A_76 = vector.load %arg12[%get3A_74, %get3A_75] : memref<1x128xf32, #tpu.memory_space<vmem>>, vector<1x128xf32>
    %add3A_77 = vector.broadcast %get3A_76 : vector<1x128xf32> to vector<1024x128xf32>
    %add3A_78 = arith.addf %dot_general3A_73, %add3A_77 : vector<1024x128xf32>
    %max3A_79 = arith.constant 0.000000e+00 : f32
    %max3A_80 = vector.broadcast %max3A_79 : f32 to vector<1024x128xf32>
    %max3A_81 = arith.maximumf %add3A_78, %max3A_80 : vector<1024x128xf32>
    %iota3A = tpu.iota {dimensions = array<i32: 0>} : vector<832x32xi32>
    %iota3A_82 = tpu.iota {dimensions = array<i32: 1>} : vector<832x32xi32>
    %jit3A = arith.constant 32 : i32
    %eq3A = arith.constant 0 : i32
    %eq3A_83 = arith.cmpi eq, %jit3A, %eq3A : i32
    %jit3A_84 = arith.constant 1 : i32
    %select_n3A = arith.select %eq3A_83, %jit3A_84, %jit3A : i32
    %rem3A = vector.broadcast %select_n3A : i32 to vector<832x32xi32>
    %rem3A_85 = arith.remsi %iota3A, %rem3A : vector<832x32xi32>
    %ne3A = arith.constant 0 : i32
    %ne3A_86 = vector.broadcast %ne3A : i32 to vector<832x32xi32>
    %ne3A_87 = arith.cmpi ne, %rem3A_85, %ne3A_86 : vector<832x32xi32>
    %lt3A = arith.constant 0 : i32
    %lt3A_88 = vector.broadcast %lt3A : i32 to vector<832x32xi32>
    %lt3A_89 = arith.cmpi slt, %rem3A_85, %lt3A_88 : vector<832x32xi32>
    %lt3A_90 = arith.constant 0 : i32
    %lt3A_91 = arith.cmpi slt, %select_n3A, %lt3A_90 : i32
    %ne3A_92 = vector.broadcast %lt3A_91 : i1 to vector<832x32xi1>
    %ne3A_93 = vector.broadcast %ne3A_92 : vector<832x32xi1> to vector<832x32xi1>
    %ne3A_94 = arith.xori %lt3A_89, %ne3A_93 : vector<832x32xi1>
    %and3A = arith.andi %ne3A_94, %ne3A_87 : vector<832x32xi1>
    %add3A_95 = vector.broadcast %select_n3A : i32 to vector<832x32xi32>
    %add3A_96 = arith.addi %rem3A_85, %add3A_95 : vector<832x32xi32>
    %select_n3A_97 = arith.select %and3A, %add3A_96, %rem3A_85 : vector<832x32xi1>, vector<832x32xi32>
    %eq3A_98 = arith.cmpi eq, %select_n3A_97, %iota3A_82 : vector<832x32xi32>
    %convert_element_type3A = arith.extui %eq3A_98 : vector<832x32xi1> to vector<832x32xi32>
    %convert_element_type3A_99 = arith.sitofp %convert_element_type3A : vector<832x32xi32> to vector<832x32xf32>
    %get3A_100 = arith.constant 0 : index
    %get3A_101 = arith.constant 0 : index
    %get3A_102 = vector.load %arg0[%get3A_100, %get3A_101] : memref<1024x832xf32, #tpu.memory_space<vmem>>, vector<1024x832xf32>
    %dot_general3A_103 = arith.constant dense<0.000000e+00> : vector<1024x32xf32>
    %dot_general3A_104 = tpu.matmul %get3A_102, %convert_element_type3A_99, %dot_general3A_103 {dimension_numbers = #tpu.dot_dimension_numbers<[1], [0], [0], [1], [0, 0, 1, 1], [], []>, transpose_lhs_hint = false} : vector<1024x832xf32>, vector<832x32xf32>, vector<1024x32xf32> -> vector<1024x32xf32>
    %concatenate3A = tpu.concatenate %max3A_81, %add3A_50, %dot_general3A_104 in 1 : vector<1024x128xf32>, vector<1024x64xf32>, vector<1024x32xf32> -> vector<1024x224xf32>
    %swap3A_105 = arith.constant 0 : index
    %swap3A_106 = arith.constant 0 : index
    %swap3A_107 = vector.load %arg16[%swap3A_105, %swap3A_106] : memref<1024x224xf32, #tpu.memory_space<vmem>>, vector<1024x224xf32>
    tpu.vector_store %arg16[%swap3A_105, %swap3A_106], %concatenate3A {strides = array<i32>} : memref<1024x224xf32, #tpu.memory_space<vmem>>, vector<1024x224xf32>,
    %slice3A = vector.extract_strided_slice %concatenate3A {offsets = [0, 209], sizes = [1024, 1], strides = [1, 1]} : vector<1024x224xf32> to vector<1024x1xf32>
    %slice3A_108 = vector.extract_strided_slice %concatenate3A {offsets = [0, 217], sizes = [1024, 7], strides = [1, 1]} : vector<1024x224xf32> to vector<1024x7xf32>
    %mul3A_109 = vector.broadcast %slice3A : vector<1024x1xf32> to vector<1024x7xf32>
    %mul3A_110 = arith.mulf %mul3A_109, %slice3A_108 : vector<1024x7xf32>
    %slice3A_111 = vector.extract_strided_slice %concatenate3A {offsets = [0, 210], sizes = [1024, 1], strides = [1, 1]} : vector<1024x224xf32> to vector<1024x1xf32>
    %slice3A_112 = vector.extract_strided_slice %concatenate3A {offsets = [0, 210], sizes = [1024, 14], strides = [1, 1]} : vector<1024x224xf32> to vector<1024x14xf32>
    %mul3A_113 = vector.broadcast %slice3A_111 : vector<1024x1xf32> to vector<1024x14xf32>
    %mul3A_114 = arith.mulf %mul3A_113, %slice3A_112 : vector<1024x14xf32>
    %slice3A_115 = vector.extract_strided_slice %concatenate3A {offsets = [0, 211], sizes = [1024, 1], strides = [1, 1]} : vector<1024x224xf32> to vector<1024x1xf32>
    %slice3A_116 = vector.extract_strided_slice %concatenate3A {offsets = [0, 211], sizes = [1024, 13], strides = [1, 1]} : vector<1024x224xf32> to vector<1024x13xf32>
    %mul3A_117 = vector.broadcast %slice3A_115 : vector<1024x1xf32> to vector<1024x13xf32>
    %mul3A_118 = arith.mulf %mul3A_117, %slice3A_116 : vector<1024x13xf32>
    %slice3A_119 = vector.extract_strided_slice %concatenate3A {offsets = [0, 212], sizes = [1024, 1], strides = [1, 1]} : vector<1024x224xf32> to vector<1024x1xf32>
    %slice3A_120 = vector.extract_strided_slice %concatenate3A {offsets = [0, 212], sizes = [1024, 12], strides = [1, 1]} : vector<1024x224xf32> to vector<1024x12xf32>
    %mul3A_121 = vector.broadcast %slice3A_119 : vector<1024x1xf32> to vector<1024x12xf32>
    %mul3A_122 = arith.mulf %mul3A_121, %slice3A_120 : vector<1024x12xf32>
    %slice3A_123 = vector.extract_strided_slice %concatenate3A {offsets = [0, 213], sizes = [1024, 1], strides = [1, 1]} : vector<1024x224xf32> to vector<1024x1xf32>
    %slice3A_124 = vector.extract_strided_slice %concatenate3A {offsets = [0, 213], sizes = [1024, 11], strides = [1, 1]} : vector<1024x224xf32> to vector<1024x11xf32>
    %mul3A_125 = vector.broadcast %slice3A_123 : vector<1024x1xf32> to vector<1024x11xf32>
    %mul3A_126 = arith.mulf %mul3A_125, %slice3A_124 : vector<1024x11xf32>
    %slice3A_127 = vector.extract_strided_slice %concatenate3A {offsets = [0, 214], sizes = [1024, 1], strides = [1, 1]} : vector<1024x224xf32> to vector<1024x1xf32>
    %slice3A_128 = vector.extract_strided_slice %concatenate3A {offsets = [0, 214], sizes = [1024, 10], strides = [1, 1]} : vector<1024x224xf32> to vector<1024x10xf32>
    %mul3A_129 = vector.broadcast %slice3A_127 : vector<1024x1xf32> to vector<1024x10xf32>
    %mul3A_130 = arith.mulf %mul3A_129, %slice3A_128 : vector<1024x10xf32>
    %slice3A_131 = vector.extract_strided_slice %concatenate3A {offsets = [0, 215], sizes = [1024, 1], strides = [1, 1]} : vector<1024x224xf32> to vector<1024x1xf32>
    %slice3A_132 = vector.extract_strided_slice %concatenate3A {offsets = [0, 215], sizes = [1024, 9], strides = [1, 1]} : vector<1024x224xf32> to vector<1024x9xf32>
    %mul3A_133 = vector.broadcast %slice3A_131 : vector<1024x1xf32> to vector<1024x9xf32>
    %mul3A_134 = arith.mulf %mul3A_133, %slice3A_132 : vector<1024x9xf32>
    %slice3A_135 = vector.extract_strided_slice %concatenate3A {offsets = [0, 216], sizes = [1024, 1], strides = [1, 1]} : vector<1024x224xf32> to vector<1024x1xf32>
    %slice3A_136 = vector.extract_strided_slice %concatenate3A {offsets = [0, 216], sizes = [1024, 8], strides = [1, 1]} : vector<1024x224xf32> to vector<1024x8xf32>
    %mul3A_137 = vector.broadcast %slice3A_135 : vector<1024x1xf32> to vector<1024x8xf32>
    %mul3A_138 = arith.mulf %mul3A_137, %slice3A_136 : vector<1024x8xf32>
    %slice3A_139 = vector.extract_strided_slice %concatenate3A {offsets = [0, 217], sizes = [1024, 1], strides = [1, 1]} : vector<1024x224xf32> to vector<1024x1xf32>
    %slice3A_140 = vector.extract_strided_slice %concatenate3A {offsets = [0, 217], sizes = [1024, 7], strides = [1, 1]} : vector<1024x224xf32> to vector<1024x7xf32>
    %mul3A_141 = vector.broadcast %slice3A_139 : vector<1024x1xf32> to vector<1024x7xf32>
    %mul3A_142 = arith.mulf %mul3A_141, %slice3A_140 : vector<1024x7xf32>
    %slice3A_143 = vector.extract_strided_slice %concatenate3A {offsets = [0, 218], sizes = [1024, 1], strides = [1, 1]} : vector<1024x224xf32> to vector<1024x1xf32>
    %slice3A_144 = vector.extract_strided_slice %concatenate3A {offsets = [0, 218], sizes = [1024, 6], strides = [1, 1]} : vector<1024x224xf32> to vector<1024x6xf32>
    %mul3A_145 = vector.broadcast %slice3A_143 : vector<1024x1xf32> to vector<1024x6xf32>
    %mul3A_146 = arith.mulf %mul3A_145, %slice3A_144 : vector<1024x6xf32>
    %slice3A_147 = vector.extract_strided_slice %concatenate3A {offsets = [0, 219], sizes = [1024, 1], strides = [1, 1]} : vector<1024x224xf32> to vector<1024x1xf32>
    %slice3A_148 = vector.extract_strided_slice %concatenate3A {offsets = [0, 219], sizes = [1024, 5], strides = [1, 1]} : vector<1024x224xf32> to vector<1024x5xf32>
    %mul3A_149 = vector.broadcast %slice3A_147 : vector<1024x1xf32> to vector<1024x5xf32>
    %mul3A_150 = arith.mulf %mul3A_149, %slice3A_148 : vector<1024x5xf32>
    %slice3A_151 = vector.extract_strided_slice %concatenate3A {offsets = [0, 220], sizes = [1024, 1], strides = [1, 1]} : vector<1024x224xf32> to vector<1024x1xf32>
    %slice3A_152 = vector.extract_strided_slice %concatenate3A {offsets = [0, 220], sizes = [1024, 4], strides = [1, 1]} : vector<1024x224xf32> to vector<1024x4xf32>
    %mul3A_153 = vector.broadcast %slice3A_151 : vector<1024x1xf32> to vector<1024x4xf32>
    %mul3A_154 = arith.mulf %mul3A_153, %slice3A_152 : vector<1024x4xf32>
    %slice3A_155 = vector.extract_strided_slice %concatenate3A {offsets = [0, 221], sizes = [1024, 1], strides = [1, 1]} : vector<1024x224xf32> to vector<1024x1xf32>
    %slice3A_156 = vector.extract_strided_slice %concatenate3A {offsets = [0, 221], sizes = [1024, 3], strides = [1, 1]} : vector<1024x224xf32> to vector<1024x3xf32>
    %mul3A_157 = vector.broadcast %slice3A_155 : vector<1024x1xf32> to vector<1024x3xf32>
    %mul3A_158 = arith.mulf %mul3A_157, %slice3A_156 : vector<1024x3xf32>
    %slice3A_159 = vector.extract_strided_slice %concatenate3A {offsets = [0, 222], sizes = [1024, 1], strides = [1, 1]} : vector<1024x224xf32> to vector<1024x1xf32>
    %slice3A_160 = vector.extract_strided_slice %concatenate3A {offsets = [0, 222], sizes = [1024, 2], strides = [1, 1]} : vector<1024x224xf32> to vector<1024x2xf32>
    %mul3A_161 = vector.broadcast %slice3A_159 : vector<1024x1xf32> to vector<1024x2xf32>
    %mul3A_162 = arith.mulf %mul3A_161, %slice3A_160 : vector<1024x2xf32>
    %slice3A_163 = vector.extract_strided_slice %concatenate3A {offsets = [0, 223], sizes = [1024, 1], strides = [1, 1]} : vector<1024x224xf32> to vector<1024x1xf32>
    %slice3A_164 = vector.extract_strided_slice %concatenate3A {offsets = [0, 223], sizes = [1024, 1], strides = [1, 1]} : vector<1024x224xf32> to vector<1024x1xf32>
    %mul3A_165 = arith.mulf %slice3A_163, %slice3A_164 : vector<1024x1xf32>
    %concatenate3A_166 = tpu.concatenate %mul3A_110, %mul3A_114, %mul3A_118, %mul3A_122, %mul3A_126, %mul3A_130, %mul3A_134, %mul3A_138, %mul3A_142, %mul3A_146, %mul3A_150, %mul3A_154, %mul3A_158, %mul3A_162, %mul3A_165, %max3A_81 in 1 : vector<1024x7xf32>, vector<1024x14xf32>, vector<1024x13xf32>, vector<1024x12xf32>, vector<1024x11xf32>, vector<1024x10xf32>, vector<1024x9xf32>, vector<1024x8xf32>, vector<1024x7xf32>, vector<1024x6xf32>, vector<1024x5xf32>, vector<1024x4xf32>, vector<1024x3xf32>, vector<1024x2xf32>, vector<1024x1xf32>, vector<1024x128xf32> -> vector<1024x240xf32>
    %get3A_167 = arith.constant 0 : index
    %get3A_168 = arith.constant 0 : index
    %get3A_169 = vector.load %arg13[%get3A_167, %get3A_168] : memref<512x240xf32, #tpu.memory_space<vmem>>, vector<512x240xf32>
    %dot_general3A_170 = arith.constant dense<0.000000e+00> : vector<1024x512xf32>
    %dot_general3A_171 = tpu.matmul %concatenate3A_166, %get3A_169, %dot_general3A_170 {dimension_numbers = #tpu.dot_dimension_numbers<[1], [1], [0], [0], [0, 0, 1, 0], [], []>, transpose_lhs_hint = false} : vector<1024x240xf32>, vector<512x240xf32>, vector<1024x512xf32> -> vector<1024x512xf32>
    %get3A_172 = arith.constant 0 : index
    %get3A_173 = arith.constant 0 : index
    %get3A_174 = vector.load %arg14[%get3A_172, %get3A_173] : memref<1x512xf32, #tpu.memory_space<vmem>>, vector<1x512xf32>
    %add3A_175 = vector.broadcast %get3A_174 : vector<1x512xf32> to vector<1024x512xf32>
    %add3A_176 = arith.addf %dot_general3A_171, %add3A_175 : vector<1024x512xf32>
    %swap3A_177 = arith.constant 0 : index
    %swap3A_178 = arith.constant 0 : index
    %swap3A_179 = vector.load %arg17[%swap3A_177, %swap3A_178] : memref<1024x512xf32, #tpu.memory_space<vmem>>, vector<1024x512xf32>
    tpu.vector_store %arg17[%swap3A_177, %swap3A_178], %add3A_176 {strides = array<i32>} : memref<1024x512xf32, #tpu.memory_space<vmem>>, vector<1024x512xf32>,
    return
  }
}

module attributes {stable_mosaic.version = 14 : i64} {
  func.func @_interact_body(%arg0: i32, %arg1: memref<1024x224xf32, #tpu.memory_space<vmem>>, %arg2: memref<512x224xf32, #tpu.memory_space<vmem>>, %arg3: memref<512x224xf32, #tpu.memory_space<vmem>>, %arg4: memref<512x512xf32, #tpu.memory_space<vmem>>, %arg5: memref<1024x512xf32, #tpu.memory_space<vmem>>) attributes {dimension_semantics = [#tpu.dimension_semantics<arbitrary>], iteration_bounds = array<i64: 49>, scalar_prefetch = 0 : i64, scratch_operands = 0 : i64, tpu.core_type = #tpu.core_type<tc>, window_params = [{pipeline_mode = #tpu.pipeline_mode<synchronous>, transform_indices = @transform_0, window_bounds = array<i64: 1024, 224>}, {transform_indices = @transform_1, window_bounds = array<i64: 512, 224>}, {transform_indices = @transform_2, window_bounds = array<i64: 512, 224>}, {transform_indices = @transform_3, window_bounds = array<i64: 512, 512>}, {pipeline_mode = #tpu.pipeline_mode<synchronous>, transform_indices = @transform_4, window_bounds = array<i64: 1024, 512>}]} {
    %get3A = arith.constant 0 : index
    %get3A_0 = arith.constant 0 : index
    %get3A_1 = vector.load %arg1[%get3A, %get3A_0] : memref<1024x224xf32, #tpu.memory_space<vmem>>, vector<1024x224xf32>
    %get3A_2 = arith.constant 0 : index
    %get3A_3 = arith.constant 0 : index
    %get3A_4 = vector.load %arg2[%get3A_2, %get3A_3] : memref<512x224xf32, #tpu.memory_space<vmem>>, vector<512x224xf32>
    %dot_general3A = arith.constant dense<0.000000e+00> : vector<1024x512xf32>
    %dot_general3A_5 = tpu.matmul %get3A_1, %get3A_4, %dot_general3A {dimension_numbers = #tpu.dot_dimension_numbers<[1], [1], [0], [0], [0, 0, 1, 0], [], []>, transpose_lhs_hint = false} : vector<1024x224xf32>, vector<512x224xf32>, vector<1024x512xf32> -> vector<1024x512xf32>
    %get3A_6 = arith.constant 0 : index
    %get3A_7 = arith.constant 0 : index
    %get3A_8 = vector.load %arg3[%get3A_6, %get3A_7] : memref<512x224xf32, #tpu.memory_space<vmem>>, vector<512x224xf32>
    %dot_general3A_9 = arith.constant dense<0.000000e+00> : vector<1024x512xf32>
    %dot_general3A_10 = tpu.matmul %get3A_1, %get3A_8, %dot_general3A_9 {dimension_numbers = #tpu.dot_dimension_numbers<[1], [1], [0], [0], [0, 0, 1, 0], [], []>, transpose_lhs_hint = false} : vector<1024x224xf32>, vector<512x224xf32>, vector<1024x512xf32> -> vector<1024x512xf32>
    %mul3A = arith.mulf %dot_general3A_5, %dot_general3A_10 : vector<1024x512xf32>
    %get3A_11 = arith.constant 0 : index
    %get3A_12 = arith.constant 0 : index
    %get3A_13 = vector.load %arg4[%get3A_11, %get3A_12] : memref<512x512xf32, #tpu.memory_space<vmem>>, vector<512x512xf32>
    %dot_general3A_14 = arith.constant dense<0.000000e+00> : vector<1024x512xf32>
    %dot_general3A_15 = tpu.matmul %mul3A, %get3A_13, %dot_general3A_14 {dimension_numbers = #tpu.dot_dimension_numbers<[1], [1], [0], [0], [0, 0, 1, 0], [], []>, transpose_lhs_hint = false} : vector<1024x512xf32>, vector<512x512xf32>, vector<1024x512xf32> -> vector<1024x512xf32>
    %eq3A = arith.constant 0 : i32
    %eq3A_16 = arith.cmpi eq, %arg0, %eq3A : i32
    %convert_element_type3A = arith.extui %eq3A_16 : i1 to i32
    %cond3A = arith.constant 0 : i32
    %cond3A_17 = arith.cmpi ne, %convert_element_type3A, %cond3A : i32
    scf.if %cond3A_17 {
      %swap3A = arith.constant 0 : index
      %swap3A_22 = arith.constant 0 : index
      %swap3A_23 = vector.load %arg5[%swap3A, %swap3A_22] : memref<1024x512xf32, #tpu.memory_space<vmem>>, vector<1024x512xf32>
      tpu.vector_store %arg5[%swap3A, %swap3A_22], %dot_general3A_15 {strides = array<i32>} : memref<1024x512xf32, #tpu.memory_space<vmem>>, vector<1024x512xf32>,
    } else {
    }
    %ne3A = arith.constant 0 : i32
    %ne3A_18 = arith.cmpi ne, %arg0, %ne3A : i32
    %convert_element_type3A_19 = arith.extui %ne3A_18 : i1 to i32
    %cond3A_20 = arith.constant 0 : i32
    %cond3A_21 = arith.cmpi ne, %convert_element_type3A_19, %cond3A_20 : i32
    scf.if %cond3A_21 {
      %get3A_22 = arith.constant 0 : index
      %get3A_23 = arith.constant 0 : index
      %get3A_24 = vector.load %arg5[%get3A_22, %get3A_23] : memref<1024x512xf32, #tpu.memory_space<vmem>>, vector<1024x512xf32>
      %add3A = arith.addf %get3A_24, %dot_general3A_15 : vector<1024x512xf32>
      %swap3A = arith.constant 0 : index
      %swap3A_25 = arith.constant 0 : index
      %swap3A_26 = vector.load %arg5[%swap3A, %swap3A_25] : memref<1024x512xf32, #tpu.memory_space<vmem>>, vector<1024x512xf32>
      tpu.vector_store %arg5[%swap3A, %swap3A_25], %add3A {strides = array<i32>} : memref<1024x512xf32, #tpu.memory_space<vmem>>, vector<1024x512xf32>,
    } else {
    }
    return
  }
  func.func @transform_0(%arg0: i32) -> (i32, i32) {
    %c0_i32 = arith.constant 0 : i32
    %c0_i32_0 = arith.constant 0 : i32
    %c0_i32_1 = arith.constant 0 : i32
    return %c0_i32, %c0_i32_0 : i32, i32
  }
  func.func @transform_1(%arg0: i32) -> (i32, i32) {
    %c0_i32 = arith.constant 0 : i32
    %c0_i32_0 = arith.constant 0 : i32
    return %arg0, %c0_i32 : i32, i32
  }
  func.func @transform_2(%arg0: i32) -> (i32, i32) {
    %c0_i32 = arith.constant 0 : i32
    %c0_i32_0 = arith.constant 0 : i32
    return %arg0, %c0_i32 : i32, i32
  }
  func.func @transform_3(%arg0: i32) -> (i32, i32) {
    %c0_i32 = arith.constant 0 : i32
    %c0_i32_0 = arith.constant 0 : i32
    return %c0_i32, %arg0 : i32, i32
  }
  func.func @transform_4(%arg0: i32) -> (i32, i32) {
    %c0_i32 = arith.constant 0 : i32
    %c0_i32_0 = arith.constant 0 : i32
    %c0_i32_1 = arith.constant 0 : i32
    return %c0_i32, %c0_i32_0 : i32, i32
  }
}

module attributes {stable_mosaic.version = 14 : i64} {
  func.func @_epilogue_body(%arg0: memref<1024x512xf32, #tpu.memory_space<vmem>>, %arg1: memref<1024x512xf32, #tpu.memory_space<vmem>>, %arg2: memref<256x512xf32, #tpu.memory_space<vmem>>, %arg3: memref<1x256xf32, #tpu.memory_space<vmem>>, %arg4: memref<8x256xf32, #tpu.memory_space<vmem>>, %arg5: memref<1x1xf32, #tpu.memory_space<smem>>, %arg6: memref<1024x1xf32, #tpu.memory_space<vmem>>) attributes {dimension_semantics = [], scalar_prefetch = 0 : i64, scratch_operands = 0 : i64, tpu.core_type = #tpu.core_type<tc>} {
    %get3A = arith.constant 0 : index
    %get3A_0 = arith.constant 0 : index
    %get3A_1 = vector.load %arg0[%get3A, %get3A_0] : memref<1024x512xf32, #tpu.memory_space<vmem>>, vector<1024x512xf32>
    %get3A_2 = arith.constant 0 : index
    %get3A_3 = arith.constant 0 : index
    %get3A_4 = vector.load %arg1[%get3A_2, %get3A_3] : memref<1024x512xf32, #tpu.memory_space<vmem>>, vector<1024x512xf32>
    %add3A = arith.addf %get3A_1, %get3A_4 : vector<1024x512xf32>
    %max3A = arith.constant 0.000000e+00 : f32
    %max3A_5 = vector.broadcast %max3A : f32 to vector<1024x512xf32>
    %max3A_6 = arith.maximumf %add3A, %max3A_5 : vector<1024x512xf32>
    %get3A_7 = arith.constant 0 : index
    %get3A_8 = arith.constant 0 : index
    %get3A_9 = vector.load %arg2[%get3A_7, %get3A_8] : memref<256x512xf32, #tpu.memory_space<vmem>>, vector<256x512xf32>
    %dot_general3A = arith.constant dense<0.000000e+00> : vector<1024x256xf32>
    %dot_general3A_10 = tpu.matmul %max3A_6, %get3A_9, %dot_general3A {dimension_numbers = #tpu.dot_dimension_numbers<[1], [1], [0], [0], [0, 0, 1, 0], [], []>, transpose_lhs_hint = false} : vector<1024x512xf32>, vector<256x512xf32>, vector<1024x256xf32> -> vector<1024x256xf32>
    %get3A_11 = arith.constant 0 : index
    %get3A_12 = arith.constant 0 : index
    %get3A_13 = vector.load %arg3[%get3A_11, %get3A_12] : memref<1x256xf32, #tpu.memory_space<vmem>>, vector<1x256xf32>
    %add3A_14 = vector.broadcast %get3A_13 : vector<1x256xf32> to vector<1024x256xf32>
    %add3A_15 = arith.addf %dot_general3A_10, %add3A_14 : vector<1024x256xf32>
    %max3A_16 = arith.constant 0.000000e+00 : f32
    %max3A_17 = vector.broadcast %max3A_16 : f32 to vector<1024x256xf32>
    %max3A_18 = arith.maximumf %add3A_15, %max3A_17 : vector<1024x256xf32>
    %get3A_19 = arith.constant 0 : index
    %get3A_20 = arith.constant 0 : index
    %get3A_21 = vector.load %arg4[%get3A_19, %get3A_20] : memref<8x256xf32, #tpu.memory_space<vmem>>, vector<8x256xf32>
    %dot_general3A_22 = arith.constant dense<0.000000e+00> : vector<1024x8xf32>
    %dot_general3A_23 = tpu.matmul %max3A_18, %get3A_21, %dot_general3A_22 {dimension_numbers = #tpu.dot_dimension_numbers<[1], [1], [0], [0], [0, 0, 1, 0], [], []>, transpose_lhs_hint = false} : vector<1024x256xf32>, vector<8x256xf32>, vector<1024x8xf32> -> vector<1024x8xf32>
    %slice3A = vector.extract_strided_slice %dot_general3A_23 {offsets = [0, 0], sizes = [1024, 1], strides = [1, 1]} : vector<1024x8xf32> to vector<1024x1xf32>
    %get3A_24 = arith.constant 0 : index
    %get3A_25 = arith.constant 0 : index
    %get3A_26 = memref.load %arg5[%get3A_24, %get3A_25] : memref<1x1xf32, #tpu.memory_space<smem>>
    %add3A_27 = vector.broadcast %get3A_26 : f32 to vector<1024x1xf32>
    %add3A_28 = arith.addf %slice3A, %add3A_27 : vector<1024x1xf32>
    %logistic3A = arith.negf %add3A_28 : vector<1024x1xf32>
    %logistic3A_29 = math.exp %logistic3A : vector<1024x1xf32>
    %logistic3A_30 = arith.constant 1.000000e+00 : f32
    %logistic3A_31 = vector.broadcast %logistic3A_30 : f32 to vector<1024x1xf32>
    %logistic3A_32 = arith.addf %logistic3A_31, %logistic3A_29 : vector<1024x1xf32>
    %logistic3A_33 = arith.divf %logistic3A_31, %logistic3A_32 : vector<1024x1xf32>
    %swap3A = arith.constant 0 : index
    %swap3A_34 = arith.constant 0 : index
    %swap3A_35 = vector.load %arg6[%swap3A, %swap3A_34] : memref<1024x1xf32, #tpu.memory_space<vmem>>, vector<1024x1xf32>
    tpu.vector_store %arg6[%swap3A, %swap3A_34], %logistic3A_33 {strides = array<i32>} : memref<1024x1xf32, #tpu.memory_space<vmem>>, vector<1024x1xf32>,
    return
  }
}

</mosaic_0001>

<sc_bundles>
// kernel: gather_offload_async_start
scs
__scs_entry_jumppad:
0x0: {  	(pc) =	sbr.rel $0x88, $3  }
0x1: {  	(tag) =	ssettag $0x0;
	lr =	simm.s32 $0x1  }
0x2: {  	[smem:$0x3F8D] =	sst lr;
	_ =	strace $0xD0000000  }
0x3: {  	_ = 	snop  }
0x4: {  	_ = 	snop  }
0x5: {  	_ = 	snop  }
0x6: {  	_ = 	snop  }
0x7: {  	_ = 	snop  }
__scs_overlays_trampoline_lowered:
0x8: {  	[smem:$0x3F9C] =	sst s0  }
0x9: {  	[smem:$0x3F9D] =	sst s1  }
0xa: {  	[smem:$0x3F9E] =	sst s2  }
0xb: {  	[smem:$0x3F9F] =	sst s3  }
0xc: {  	[smem:$0x3FA0] =	sst s4  }
0xd: {  	[smem:$0x3FA1] =	sst s5  }
0xe: {  	[smem:$0x3FA2] =	sst s6  }
0xf: {  	[smem:$0x3FA3] =	sst s7  }
0x10: {  	[smem:$0x3FA4] =	sst s8  }
0x11: {  	[smem:$0x3FA5] =	sst s9;
	s0 =	simm.s32 @!p0 $0x0  }
0x12: {  	s1 =	sld [smem:$0x3F8B];
	s0 =	simm.s32 @p0 $0x1  }
0x13: {  	[smem:$0x3FA6] =	sst s0;
	s0 =	simm.s32 @!p1 $0x0  }
0x14: {  	s2 =	sld [smem:$0x3F8A];
	s0 =	simm.s32 @p1 $0x1  }
0x15: {  	[smem:$0x3FA7] =	sst s0;
	s0 =	simm.s32 @!p2 $0x0  }
0x16: {  	s3 =	sld [smem:$0x3FDB];
	s0 =	simm.s32 @p2 $0x1  }
0x17: {  	s4 =	simm.s32 $0x1BF5;
	[smem:$0x3FA9] =	sst s0  }
0x18: {  	s0 =	sld [smem:$0x3F8C];
	_ =	swait.ge [sflag:s4], $0x0  }
0x19: {  	s7 =	sld [smem:$0x3F8D]  }
0x1a: {  	s8 =	sadd.s32 $0xFFFFE003, lr  }
0x1b: {  	s9 =	sadd.s32 $0xFFFFFEF7, lr;
	s5 =	simm.s32 $0xFFFFFFFF;
	p2 =	slt.u32 s8, $0xFFFFF086  }
0x1c: {  	p1 =	slt.u32 s9, $0xF7A;
	s5 =	simm.s32 @!p2 $0x0  }
0x1d: {  	s5 =	simm.s32 @p1 $0x1;
	p0 =	seq.s32 s7, s2  }
0x1e: {  	s7 =	smul.u32 @!p0 $0xF7A, s2;
	p2 =	seq.s32 @!p0 s5, $0x0  }
0x1f: {  	s9 =	smul.u32 $0xF7A, s1;
	s8 =	simm.s32 @!p0 $0x1BF5;
	p2 =	por !p2, p0  }
0x20: {  	[sflag:s8] =	ssyncset.s32 @!p0 $0xFFFFF086;
	s6 =	sadd.s32 @!p0 s3, s7;
	s7 =	simm.s32 @!p0 $0x108  }
0x21: {  	s3 =	sadd.s32 s3, s9;
	s6 =	sadd.s32 @!p0 $0x88, s6;
	s7 =	simm.s32 @p2 $0x1082  }
0x22: {  	[simem:s7], [sflag:s8] =	dma.local @!p0 [hbm:s6], $0xF7A  }
0x23: {  	s9 =	sor.u32 $0xD0000000, s2;
	s6 =	simm.s32 $0x108;
	_ =	swait.ge @!p0 [sflag:s8], $0x0  }
0x24: {  	s3 =	sadd.s32 $0x88, s3;
	s6 =	simm.s32 @!p1 $0x1082;
	[sflag:s4] =	ssyncset.s32 $0xFFFFF086  }
0x25: {  	[simem:s6], [sflag:s4] =	dma.local [hbm:s3], $0xF7A  }
0x26: {  	[smem:$0x3F8D] =	sst s1;
	(tag) =	ssettag s2;
	_ =	strace s9  }
0x27: {  	s1 =	sld [smem:$0x3F9D]  }
0x28: {  	s2 =	sld [smem:$0x3F9E]  }
0x29: {  	s4 =	sld [smem:$0x3FA0]  }
0x2a: {  	p0 =	seq.s32 s5, $0x0;
	s5 =	sld [smem:$0x3FA1]  }
0x2b: {  	s6 =	sld [smem:$0x3FA2]  }
0x2c: {  	s7 =	sld [smem:$0x3FA3]  }
0x2d: {  	s3 =	simm.s32 $0x108;
	s8 =	sld [smem:$0x3FA4]  }
0x2e: {  	s3 =	simm.s32 @!p0 $0x1082;
	s9 =	sld [smem:$0x3FA5]  }
0x2f: {  	lr =	sadd.s32 s0, s3;
	s0 =	sld [smem:$0x3F9C]  }
0x30: {  	s3 =	sld [smem:$0x3F9F]  }
0x31: {  	[smem:$0x3FA8] =	sst s10  }
0x32: {  	s10 =	sld [smem:$0x3FA6];
	_ =	sdelay $0x3  }
0x33: {  	p0 =	seq.s32 s10, $0x1;
	s10 =	sld [smem:$0x3FA8];
	_ =	sdelay $0x3  }
0x34: {  	[smem:$0x3FA8] =	sst s10  }
0x35: {  	s10 =	sld [smem:$0x3FA7];
	_ =	sdelay $0x3  }
0x36: {  	p1 =	seq.s32 s10, $0x1;
	s10 =	sld [smem:$0x3FA8];
	_ =	sdelay $0x3  }
0x37: {  	[smem:$0x3FA8] =	sst s10  }
0x38: {  	s10 =	sld [smem:$0x3FA9]  }
0x39: {  	_ = 	snop;
	(pc) =	sbr.ind lr, $3  }
0x3a: {  	_ = 	snop  }
0x3b: {  	_ = 	snop  }
0x3c: {  	p2 =	seq.s32 s10, $0x1;
	s10 =	sld [smem:$0x3FA8]  }
0x3d: {  	_ =	shalt  }
0x3e: {  	_ =	shalt  }
0x3f: {  	_ =	shalt  }
0x40: {  	_ =	shalt  }
0x41: {  	_ =	shalt  }
0x42: {  	_ =	shalt  }
0x43: {  	_ =	shalt  }
0x44: {  	_ =	shalt  }
0x45: {  	_ =	shalt  }
0x46: {  	_ =	shalt  }
0x47: {  	_ =	shalt  }
0x48: {  	_ =	shalt  }
0x49: {  	_ =	shalt  }
0x4a: {  	_ =	shalt  }
0x4b: {  	_ =	shalt  }
0x4c: {  	_ =	shalt  }
0x4d: {  	_ =	shalt  }
0x4e: {  	_ =	shalt  }
0x4f: {  	_ =	shalt  }
0x50: {  	_ =	shalt  }
0x51: {  	_ =	shalt  }
0x52: {  	_ =	shalt  }
0x53: {  	_ =	shalt  }
0x54: {  	_ =	shalt  }
0x55: {  	_ =	shalt  }
0x56: {  	_ =	shalt  }
0x57: {  	_ =	shalt  }
0x58: {  	_ =	shalt  }
0x59: {  	_ =	shalt  }
0x5a: {  	_ =	shalt  }
0x5b: {  	_ =	shalt  }
0x5c: {  	_ =	shalt  }
0x5d: {  	_ =	shalt  }
0x5e: {  	_ =	shalt  }
0x5f: {  	_ =	shalt  }
0x60: {  	_ =	shalt  }
0x61: {  	_ =	shalt  }
0x62: {  	_ =	shalt  }
0x63: {  	_ =	shalt  }
0x64: {  	_ =	shalt  }
0x65: {  	_ =	shalt  }
0x66: {  	_ =	shalt  }
0x67: {  	_ =	shalt  }
0x68: {  	_ =	shalt  }
0x69: {  	_ =	shalt  }
0x6a: {  	_ =	shalt  }
0x6b: {  	_ =	shalt  }
0x6c: {  	_ =	shalt  }
0x6d: {  	_ =	shalt  }
0x6e: {  	_ =	shalt  }
0x6f: {  	_ =	shalt  }
0x70: {  	_ =	shalt  }
0x71: {  	_ =	shalt  }
0x72: {  	_ =	shalt  }
0x73: {  	_ =	shalt  }
0x74: {  	_ =	shalt  }
0x75: {  	_ =	shalt  }
0x76: {  	_ =	shalt  }
0x77: {  	_ =	shalt  }
0x78: {  	_ =	shalt  }
0x79: {  	_ =	shalt  }
0x7a: {  	_ =	shalt  }
0x7b: {  	_ =	shalt  }
0x7c: {  	_ =	shalt  }
0x7d: {  	_ =	shalt  }
0x7e: {  	_ =	shalt  }
0x7f: {  	_ =	shalt  }
0x80: {  	_ =	shalt  }
0x81: {  	_ =	shalt  }
0x82: {  	_ =	shalt  }
0x83: {  	_ =	shalt  }
0x84: {  	_ =	shalt  }
0x85: {  	_ =	shalt  }
0x86: {  	_ =	shalt  }
0x87: {  	_ =	shalt  }
.Lfunc_end0:
.L_simem_size_0:
called_computation_lowered:
.L_overlay_start_0:
0x88: {  	s2 =	sld [smem:$0x3FD9]  }
0x89: {  	s3 =	sld [smem:$0x3FFE];
	_ =	sdelay $0x1  }
0x8a: {  	s1 =	srdreg.scid  }
0x8b: {  	s0 =	sand.u32 $0x1, s1  }
0x8c: {  	s14 =	sshll.u32 s0, $0xA;
	s2 =	sadd.s32 s3, s2  }
0x8d: {  	s2 =	sadd.s32 s2, s14  }
0x8e: {  	[smem:$0x3FB4] =	sst s2  }
0x8f: {  	_ = 	snop  }
0x90: {  	s2 =	sld [smem:$0x3FD0];
	_ =	sdelay $0x2  }
0x91: {  	s4 =	simm.s32 $0xA;
	s5 =	simm.s32 $0x10;
	s15 =	sld [smem:$0x3FC6]  }
0x92: {  	[smem:s5], [sflag:s4] =	dma.local [hbm:s2], $0x1  }
0x93: {  	_ =	swait.eq [sflag:s4], $0x1  }
0x94: {  	[sflag:s4] =	ssyncset.done $0x0  }
0x95: {  	[sflag:s4] =	ssyncadd.s32 $0xFFFFFFFF  }
0x96: {  	s16 =	sld [smem:$0x11];
	(tm) =	ssettm $0x1  }
0x97: {  	s17 =	sld [smem:$0x3FFB];
	_ =	sdelay $0x3  }
0x98: {  	_ =	strace s17  }
0x99: {  	s4 =	sld [smem:$0x3FFC];
	_ =	sdelay $0x3  }
0x9a: {  	_ =	strace s4  }
0x9b: {  	s4 =	sld [smem:$0x3FFD];
	_ =	sdelay $0x3  }
0x9c: {  	_ =	strace s4  }
0x9d: {  	_ =	strace $0x8FFFFFFF  }
0x9e: {  	s18 =	sld [smem:$0x3FDB];
	_ =	sdelay $0x1  }
0x9f: {  	s19 =	simm.s32 $_scs_section_size  }
0xa0: {  	s6 =	simm.s32 $_size__tile_overlayer_lowered;
	s7 =	simm.s32 $_tile_overlayer_lowered  }
0xa1: {  	s22 =	simm.s32 $0x1BFF;
	s21 =	sshll.u32 s7, $0x1;
	s4 =	sadd.s32 s19, s18  }
0xa2: {  	s8 =	simm.s32 $0x0;
	s20 =	sshll.u32 s6, $0x1;
	s6 =	sadd.s32 s21, s4  }
0xa3: {  	[timem:s8], [sflag:s22] =	dma.local [hbm:s6], s20  }
0xa4: {  	_ =	swait.ge [sflag:s22], s20  }
0xa5: {  	s5 =	ssub.s32 $0x0, s20;
	[sflag:s22] =	ssyncset.done $0x0  }
0xa6: {  	[sflag:s22] =	ssyncadd.s32 s5;
	_ =	sdelay $0x1  }
0xa7: {  	s23 =	simm.s32 $0x1B8B  }
0xa8: {  	_ =	swait.ge [sflag:s23], $0x1  }
0xa9: {  	[sflag:s23] =	ssyncset.done $0x0  }
0xaa: {  	s25 =	simm.s32 $0x1B8E;
	s24 =	sld [smem:$0x3FFE];
	[sflag:s23] =	ssyncadd.s32 $0xFFFFFFFF  }
0xab: {  	s26 =	simm.s32 $execute0_lowered;
	[smem:$0x3FD2] =	sst s25  }
0xac: {  	s6 =	sshll.u32 s26, $0x1;
	_ =	strace $0x80000046;
	[dreg:$0x1] =	wrdreg $0xFFFFFFFF  }
0xad: {  	s28 =	simm.s32 $_size_execute0_lowered;
	s4 =	sadd.s32 s4, s6;
	[dreg:$0x0] =	wrdreg $0x0  }
0xae: {  	s6 =	sshll.u32 s28, $0x1;
	[dreg:$0x2] =	wrdreg s4  }
0xaf: {  	[dreg:$0x3] =	wrdreg s6  }
0xb0: {  	[dreg:$0x4] =	wrdreg $0xC0  }
0xb1: {  	_ =	task [dreg:s8], $0x5FFFF  }
0xb2: {  	[dreg:$0x1] =	wrdreg $0xFFFFFFFF  }
0xb3: {  	[dreg:$0x0] =	wrdreg $0x60  }
0xb4: {  	[dreg:$0x2] =	wrdreg s15  }
0xb5: {  	[dreg:$0x3] =	wrdreg s16  }
0xb6: {  	[dreg:$0x4] =	wrdreg s24  }
0xb7: {  	[dreg:$0x5] =	wrdreg $0x9  }
0xb8: {  	_ =	task.clear_ibuf [dreg:s8], $0x6FFFF;
	_ =	strace $0x90000046  }
0xb9: {  	s29 =	simm.s32 $0x9;
	_ =	strace $0x80000048  }
0xba: {  	_ =	swait.ge [sflag:s29], $0x1  }
0xbb: {  	[sflag:s29] =	ssyncadd.s32 $0xFFFFFFFF  }
0xbc: {  	_ =	strace $0x90000048  }
0xbd: {  	_ =	sfence  }
0xbe: {  	s30 =	sld [smem:$0x0];
	_ =	sdelay $0x2  }
0xbf: {  	s31 =	sshll.u32 s1, $0xD;
	s1 =	sshrl.u32 s1, $0x2  }
0xc0: {  	s3 =	sand.u32 $0x4000, s31;
	s1 =	sadd.s32 s1, s30  }
0xc1: {  	s0 =	sor.u32 s3, s0;
	s1 =	sshll.u32 s1, $0x11  }
0xc2: {  	s0 =	sor.u32 s1, s0  }
0xc3: {  	s0 =	sadd.s32 $0x8F2B, s0  }
0xc4: {  	[sflag:s0] =	ssyncadd.remote.s32 $0x1  }
0xc5: {  	_ =	sfence.sel $0xFFFF  }
0xc6: {  	[dreg:$0x0] =	wrdreg $0xFFFFFFFF;
	(pc) =	sbr.abs _section_cstart, $3  }
0xc7: {  	[dreg:$0x1] =	wrdreg $0xFFFFFFFF  }
0xc8: {  	_ =	task.clear_ibuf [dreg:s8], $0x2FFFF;
	_ =	strace $0x9FFFFFFF  }
0xc9: {  	(tm) =	ssettm $0x7FFFFFFF  }
tec
execute0_lowered:
.L_overlay_start_1:
0x0: {  	(tag) =	ssettag $0x1  }
0x1: {  	s2 =	rddreg [dreg:$0x0]  }
0x2: {  	s3 =	rddreg [dreg:$0x1];
	s0 =	srdreg.scid  }
0x3: {  	s11 =	rddreg [dreg:$0x2];
	s1 =	stileid.u32  }
0x4: {  	s10 =	simm.s32 $0x3;
	s13 =	simm.s32 $0x0;
	s16 =	simm.s32 $0x0  }
0x5: {  	s15 =	simm.s32 $0x0;
	s4 =	sshll.u32 s0, $0x9;
	s0 =	rddreg [dreg:$0x3]  }
0x6: {  	s5 =	sshll.u32 s1, $0xA;
	_ =	strace $0x80000047;
	s6 =	sand.u32 $0x200, s4  }
0x7: {  	s7 =	sadd.s32 $0x2800, s11;
	s4 =	simm.s32 $0x1;
	s5 =	sor.u32 s5, s6  }
0x8: {  	[sflag:s4] =	ssyncpa.u1 $0x0;
	s6 =	simm.s32 $0x2;
	s8 =	ssub.s32 $0x6800, s5  }
.Ltmp0:
0x9: {  	[sflag:s6] =	ssyncpa.u1 $0x0;
	s9 =	sand.u32 $0x3E00, s8;
	(pc) =	sbr.rel .LBB2_1-.Ltmp0, $4  }
0xa: {  	s14 =	smov.u32 s5;
	p0 =	sne.s32 s9, $0x0;
	s9 =	simm.s32 $0x1  }
0xb: {  	[sflag:s10] =	ssyncpa.u1 $0x0;
	s8 =	sshrl.u32 s8, $0xE;
	s9 =	simm.s32 @!p0 $0x0  }
0xc: {  	s10 =	sadd.s32 $0xF800, s11;
	p0 =	por $0x0, $0x0;
	s8 =	sadd.s32 s9, s8  }
0xd: {  	vm0 =	vmmov $0xffff;
	v0 =	vlaneseq.u32;
	s9 =	sadd.s32 $0x9000, s11;
	s11 =	sadd.s32 $0x16000, s11;
	s12 =	sadd.s32 $0x1, s8  }
.LBB2_4:
0xe: {  	_ =	sdelay $0x3  }
0xf: {  	[tilespmem:s23], [sflag:$0x1] =	stream.indirect_vreg.gather [hbm4b:s2+s13], $0x1, v1, vm0, $0x4038;
	[tilespmem:$0x8400] =	vst v63  }
0x10: {  	s19 =	sshll.u32 s16, $0x3  }
0x11: {  	s24 =	sand.u32 $0x78, s16;
	s19 =	sand.u32 $0xFFFFFC00, s19  }
0x12: {  	_ =	swait.ge [sflag:s4], $0x4000;
	s16 =	sor.u32 s24, s19  }
0x13: {  	[sflag:s4] =	ssyncset.done $0x0;
	s16 =	sshrl.u32 s16, $0x3  }
0x14: {  	[sflag:s4] =	ssyncadd.s32 $0xFFFFC000;
	s25 =	sadd.s32 s7, s16  }
0x15: {  	[hbm:s25] =	stream.linear.scatter [tilespmem:s18], [sflag:$0x3], $0x1000, $0x38;
	[tilespmem:$0x8400] =	vst v63  }
0x16: {  	s26 =	sadd.s32 $0x1400, s17;
	s28 =	sadd.s32 s16, s9  }
0x17: {  	[hbm:s28] =	stream.linear.scatter [tilespmem:s26], [sflag:$0x3], $0x1000, $0x38;
	[tilespmem:$0x8400] =	vst v63  }
0x18: {  	s29 =	sadd.s32 $0x2400, s17;
	s30 =	sadd.s32 s16, s10  }
0x19: {  	[hbm:s30] =	stream.linear.scatter [tilespmem:s29], [sflag:$0x3], $0x1000, $0x38;
	[tilespmem:$0x8400] =	vst v63  }
0x1a: {  	s31 =	sadd.s32 $0x3400, s17;
	s16 =	sadd.s32 s16, s11  }
0x1b: {  	[hbm:s16] =	stream.linear.scatter [tilespmem:s31], [sflag:$0x3], $0x1000, $0x38;
	[tilespmem:$0x8400] =	vst v63  }
.LBB2_5:
0x1c: {  	s18 =	sadd.s32 $0x4000, s14  }
0x1d: {  	p2 =	sgt.s32 s18, $0x67FF  }
0x1e: {  	s18 =	smov.u32 @p2 s5;
	p2 =	sne.s32 s15, s12  }
.Ltmp1:
0x1f: {  	p1 =	slt.u32 s15, $0x2;
	(pc) =	sbr.rel @!p2 .LBB2_6-.Ltmp1, $4  }
0x20: {  	s17 =	simm.s32 @!p1 $0x3  }
0x21: {  	s19 =	sadd.s32 $0x1, s15;
	_ =	swait.ge @!p1 [sflag:s17], $0x4000  }
0x22: {  	s16 =	smov.u32 s14;
	p0 =	por !p0, !p0;
	[sflag:s17] =	ssyncset.done @!p1 $0x0  }
0x23: {  	s15 =	smov.u32 s19;
	s14 =	smov.u32 s18;
	[sflag:s17] =	ssyncadd.s32 @!p1 $0xFFFFC000  }
.LBB2_1:
0x24: {  	p1 =	sge.u32 s15, s8  }
0x25: {  	s17 =	sxor.u32 @!p1 $0xFFFFFFFF, s15  }
0x26: {  	s31 =	sadd.s32 $0xFFFFFFFF, s15;
	s18 =	sshrl.u32 @!p1 s14, $0x3;
	s17 =	sshll.u32 @!p1 s17, $0x9  }
0x27: {  	s19 =	sand.u32 @!p1 $0x7, s14;
	s18 =	sadd.s32 @!p1 s3, s18;
	s17 =	sand.u32 @!p1 $0x200, s17  }
0x28: {  	[tilespmem:s17], [sflag:$0x2] =	stream.linear.gather @!p1 [hbm4b:s18+s19], $0x200, $0x38;
	[tilespmem:$0x8400] =	vst v63  }
0x29: {  	p1 =	sge.u32 s31, s8  }
.Ltmp2:
0x2a: {  	_ = 	snop;
	(pc) =	sbr.rel @p1 .LBB2_5-.Ltmp2, $1  }
0x2b: {  	_ =	sdelay $0x3  }
0x2c: {  	s17 =	simm.s32 $0x1;
	_ =	swait.ge [sflag:s6], $0x200  }
0x2d: {  	s17 =	simm.s32 @!p0 $0x0;
	[sflag:s6] =	ssyncset.done $0x0  }
0x2e: {  	s20 =	sshll.u32 s17, $0x9;
	[sflag:s6] =	ssyncadd.s32 $0xFFFFFE00  }
0x2f: {  	v1 =	vld.msk [tilespmem:s20+$0x0 ss:$0x1], $0xffff;
	_ =	sdelay $0x2  }
0x30: {  	s21 =	ssub.s32 $0x6800, s16  }
0x31: {  	p1 =	slt.s32 s21, $0x200  }
0x32: {  	s21 =	simm.s32 @!p1 $0x200;
	vm1 =	vgt.s32 v1, $0x0  }
0x33: {  	p1 =	sgt.s32 s21, $0x0;
	s17 =	smov.u32 s21;
	v1 =	vnsel vm1, $0x0, v1  }
0x34: {  	s17 =	simm.s32 @!p1 $0x0;
	v1 =	vmin.u32 v1, $0xF423F  }
0x35: {  	s17 =	smin.u32 s17, $0x10;
	v2 =	vshll.u32 v1, $0x3  }
0x36: {  	v3 =	vmov s17;
	v1 =	vand.u32 $0x7F, v1;
	v2 =	vand.u32 $0x7FFC00, v2  }
0x37: {  	vm1 =	vgt.u32 v3, v0;
	v1 =	vor.u32 v1, v2  }
0x38: {  	s25 =	sshll.u32 s15, $0xE;
	v2 =	vnsel vm1, $0x7FFFFFFF, v1  }
0x39: {  	s19 =	simm.s32 $0x0;
	s17 =	sand.u32 $0x4000, s25  }
0x3a: {  	s22 =	sand.u32 $0xC00, s19;
	s18 =	sor.u32 $0x400, s17;
	v3 =	vor.u32 $0x80, v1  }
0x3b: {  	s23 =	sand.u32 $0x70, s19;
	(ifvalue) =	ssetifvalue $0x7FFFFFFF;
	s22 =	sadd.s32 s22, s18;
	v3 =	vnsel vm1, $0x7FFFFFFF, v3  }
0x3c: {  	(ifvalue) =	ssetifvalue $0x7FFFFFFF;
	s22 =	sadd.s32 s23, s22  }
0x3d: {  	v4 =	vor.u32 $0x100, v1;
	[tilespmem:s22], [sflag:$0x1] =	stream.indirect_vreg.gather [hbm4b:s2+s13], $0x1, v2, vm0, $0x4038;
	[tilespmem:$0x8400] =	vst v63  }
0x3e: {  	(ifvalue) =	ssetifvalue $0x7FFFFFFF;
	v2 =	vnsel vm1, $0x7FFFFFFF, v4  }
0x3f: {  	s23 =	sadd.s32 $0x80, s22;
	(ifvalue) =	ssetifvalue $0x7FFFFFFF  }
0x40: {  	v36 =	vor.u32 $0x180, v1;
	[tilespmem:s23], [sflag:$0x1] =	stream.indirect_vreg.gather [hbm4b:s2+s13], $0x1, v3, vm0, $0x4038;
	[tilespmem:$0x8400] =	vst v63  }
0x41: {  	v3 =	vnsel vm1, $0x7FFFFFFF, v36;
	(ifvalue) =	ssetifvalue $0x7FFFFFFF  }
0x42: {  	s26 =	sadd.s32 $0x100, s22;
	(ifvalue) =	ssetifvalue $0x7FFFFFFF  }
0x43: {  	v37 =	vor.u32 $0x200, v1;
	[tilespmem:s26], [sflag:$0x1] =	stream.indirect_vreg.gather [hbm4b:s2+s13], $0x1, v2, vm0, $0x4038;
	[tilespmem:$0x8400] =	vst v63  }
0x44: {  	v2 =	vnsel vm1, $0x7FFFFFFF, v37;
	(ifvalue) =	ssetifvalue $0x7FFFFFFF  }
0x45: {  	s28 =	sadd.s32 $0x180, s22;
	(ifvalue) =	ssetifvalue $0x7FFFFFFF  }
0x46: {  	v38 =	vor.u32 $0x280, v1;
	[tilespmem:s28], [sflag:$0x1] =	stream.indirect_vreg.gather [hbm4b:s2+s13], $0x1, v3, vm0, $0x4038;
	[tilespmem:$0x8400] =	vst v63  }
0x47: {  	v3 =	vnsel vm1, $0x7FFFFFFF, v38;
	(ifvalue) =	ssetifvalue $0x7FFFFFFF  }
0x48: {  	s29 =	sadd.s32 $0x200, s22;
	(ifvalue) =	ssetifvalue $0x7FFFFFFF  }
0x49: {  	v39 =	vor.u32 $0x300, v1;
	[tilespmem:s29], [sflag:$0x1] =	stream.indirect_vreg.gather [hbm4b:s2+s13], $0x1, v2, vm0, $0x4038;
	[tilespmem:$0x8400] =	vst v63  }
0x4a: {  	v2 =	vnsel vm1, $0x7FFFFFFF, v39;
	(ifvalue) =	ssetifvalue $0x7FFFFFFF  }
0x4b: {  	s30 =	sadd.s32 $0x280, s22;
	(ifvalue) =	ssetifvalue $0x7FFFFFFF  }
0x4c: {  	v40 =	vor.u32 $0x380, v1;
	[tilespmem:s30], [sflag:$0x1] =	stream.indirect_vreg.gather [hbm4b:s2+s13], $0x1, v3, vm0, $0x4038;
	[tilespmem:$0x8400] =	vst v63  }
0x4d: {  	v3 =	vnsel vm1, $0x7FFFFFFF, v40;
	(ifvalue) =	ssetifvalue $0x7FFFFFFF  }
0x4e: {  	s19 =	sor.u32 s19, s19;
	s31 =	sadd.s32 $0x300, s22;
	(ifvalue) =	ssetifvalue $0x7FFFFFFF  }
0x4f: {  	v41 =	vadd.s32 $0x7A1400, v1;
	[tilespmem:s31], [sflag:$0x1] =	stream.indirect_vreg.gather [hbm4b:s2+s13], $0x1, v2, vm0, $0x4038;
	[tilespmem:$0x8400] =	vst v63  }
0x50: {  	s19 =	sor.u32 $0x380, s19;
	v2 =	vnsel vm1, $0x7FFFFFFF, v41;
	(ifvalue) =	ssetifvalue $0x7FFFFFFF  }
0x51: {  	s19 =	sadd.s32 s19, s18;
	(ifvalue) =	ssetifvalue $0x7FFFFFFF  }
0x52: {  	v42 =	vadd.s32 $0x7A1480, v1;
	[tilespmem:s19], [sflag:$0x1] =	stream.indirect_vreg.gather [hbm4b:s2+s13], $0x1, v3, vm0, $0x4038;
	[tilespmem:$0x8400] =	vst v63  }
0x53: {  	v3 =	vnsel vm1, $0x7FFFFFFF, v42;
	(ifvalue) =	ssetifvalue $0x7FFFFFFF  }
0x54: {  	s24 =	sadd.s32 $0x1000, s22;
	(ifvalue) =	ssetifvalue $0x7FFFFFFF  }
0x55: {  	v43 =	vadd.s32 $0x7A1500, v1;
	[tilespmem:s24], [sflag:$0x1] =	stream.indirect_vreg.gather [hbm4b:s2+s13], $0x1, v2, vm0, $0x4038;
	[tilespmem:$0x8400] =	vst v63  }
0x56: {  	v2 =	vnsel vm1, $0x7FFFFFFF, v43;
	(ifvalue) =	ssetifvalue $0x7FFFFFFF  }
0x57: {  	s25 =	sadd.s32 $0x1080, s22;
	(ifvalue) =	ssetifvalue $0x7FFFFFFF  }
0x58: {  	v44 =	vadd.s32 $0x7A1580, v1;
	[tilespmem:s25], [sflag:$0x1] =	stream.indirect_vreg.gather [hbm4b:s2+s13], $0x1, v3, vm0, $0x4038;
	[tilespmem:$0x8400] =	vst v63  }
0x59: {  	v3 =	vnsel vm1, $0x7FFFFFFF, v44;
	(ifvalue) =	ssetifvalue $0x7FFFFFFF  }
0x5a: {  	s26 =	sadd.s32 $0x1100, s22;
	(ifvalue) =	ssetifvalue $0x7FFFFFFF  }
0x5b: {  	v45 =	vadd.s32 $0x7A1600, v1;
	[tilespmem:s26], [sflag:$0x1] =	stream.indirect_vreg.gather [hbm4b:s2+s13], $0x1, v2, vm0, $0x4038;
	[tilespmem:$0x8400] =	vst v63  }
0x5c: {  	v2 =	vnsel vm1, $0x7FFFFFFF, v45;
	(ifvalue) =	ssetifvalue $0x7FFFFFFF  }
0x5d: {  	s28 =	sadd.s32 $0x1180, s22;
	(ifvalue) =	ssetifvalue $0x7FFFFFFF  }
0x5e: {  	v46 =	vadd.s32 $0x7A1680, v1;
	[tilespmem:s28], [sflag:$0x1] =	stream.indirect_vreg.gather [hbm4b:s2+s13], $0x1, v3, vm0, $0x4038;
	[tilespmem:$0x8400] =	vst v63  }
0x5f: {  	v3 =	vnsel vm1, $0x7FFFFFFF, v46;
	(ifvalue) =	ssetifvalue $0x7FFFFFFF  }
0x60: {  	s29 =	sadd.s32 $0x1200, s22;
	(ifvalue) =	ssetifvalue $0x7FFFFFFF  }
0x61: {  	v47 =	vadd.s32 $0x7A1700, v1;
	[tilespmem:s29], [sflag:$0x1] =	stream.indirect_vreg.gather [hbm4b:s2+s13], $0x1, v2, vm0, $0x4038;
	[tilespmem:$0x8400] =	vst v63  }
0x62: {  	v2 =	vnsel vm1, $0x7FFFFFFF, v47;
	(ifvalue) =	ssetifvalue $0x7FFFFFFF  }
0x63: {  	s30 =	sadd.s32 $0x1280, s22;
	(ifvalue) =	ssetifvalue $0x7FFFFFFF  }
0x64: {  	v48 =	vadd.s32 $0x7A1780, v1;
	[tilespmem:s30], [sflag:$0x1] =	stream.indirect_vreg.gather [hbm4b:s2+s13], $0x1, v3, vm0, $0x4038;
	[tilespmem:$0x8400] =	vst v63  }
0x65: {  	v3 =	vnsel vm1, $0x7FFFFFFF, v48;
	(ifvalue) =	ssetifvalue $0x7FFFFFFF  }
0x66: {  	s31 =	sadd.s32 $0x1300, s22;
	(ifvalue) =	ssetifvalue $0x7FFFFFFF  }
0x67: {  	v49 =	vadd.s32 $0xF42800, v1;
	[tilespmem:s31], [sflag:$0x1] =	stream.indirect_vreg.gather [hbm4b:s2+s13], $0x1, v2, vm0, $0x4038;
	[tilespmem:$0x8400] =	vst v63  }
0x68: {  	v2 =	vnsel vm1, $0x7FFFFFFF, v49;
	(ifvalue) =	ssetifvalue $0x7FFFFFFF  }
0x69: {  	s23 =	sadd.s32 $0x1380, s22;
	(ifvalue) =	ssetifvalue $0x7FFFFFFF  }
0x6a: {  	v50 =	vadd.s32 $0xF42880, v1;
	[tilespmem:s23], [sflag:$0x1] =	stream.indirect_vreg.gather [hbm4b:s2+s13], $0x1, v3, vm0, $0x4038;
	[tilespmem:$0x8400] =	vst v63  }
0x6b: {  	v3 =	vnsel vm1, $0x7FFFFFFF, v50;
	(ifvalue) =	ssetifvalue $0x7FFFFFFF  }
0x6c: {  	s24 =	sadd.s32 $0x2000, s22;
	(ifvalue) =	ssetifvalue $0x7FFFFFFF  }
0x6d: {  	v51 =	vadd.s32 $0xF42900, v1;
	[tilespmem:s24], [sflag:$0x1] =	stream.indirect_vreg.gather [hbm4b:s2+s13], $0x1, v2, vm0, $0x4038;
	[tilespmem:$0x8400] =	vst v63  }
0x6e: {  	v2 =	vnsel vm1, $0x7FFFFFFF, v51;
	(ifvalue) =	ssetifvalue $0x7FFFFFFF  }
0x6f: {  	s25 =	sadd.s32 $0x2080, s22;
	(ifvalue) =	ssetifvalue $0x7FFFFFFF  }
0x70: {  	v52 =	vadd.s32 $0xF42980, v1;
	[tilespmem:s25], [sflag:$0x1] =	stream.indirect_vreg.gather [hbm4b:s2+s13], $0x1, v3, vm0, $0x4038;
	[tilespmem:$0x8400] =	vst v63  }
0x71: {  	v3 =	vnsel vm1, $0x7FFFFFFF, v52;
	(ifvalue) =	ssetifvalue $0x7FFFFFFF  }
0x72: {  	s26 =	sadd.s32 $0x2100, s22;
	(ifvalue) =	ssetifvalue $0x7FFFFFFF  }
0x73: {  	v53 =	vadd.s32 $0xF42A00, v1;
	[tilespmem:s26], [sflag:$0x1] =	stream.indirect_vreg.gather [hbm4b:s2+s13], $0x1, v2, vm0, $0x4038;
	[tilespmem:$0x8400] =	vst v63  }
0x74: {  	v2 =	vnsel vm1, $0x7FFFFFFF, v53;
	(ifvalue) =	ssetifvalue $0x7FFFFFFF  }
0x75: {  	s28 =	sadd.s32 $0x2180, s22;
	(ifvalue) =	ssetifvalue $0x7FFFFFFF  }
0x76: {  	v54 =	vadd.s32 $0xF42A80, v1;
	[tilespmem:s28], [sflag:$0x1] =	stream.indirect_vreg.gather [hbm4b:s2+s13], $0x1, v3, vm0, $0x4038;
	[tilespmem:$0x8400] =	vst v63  }
0x77: {  	v3 =	vnsel vm1, $0x7FFFFFFF, v54;
	(ifvalue) =	ssetifvalue $0x7FFFFFFF  }
0x78: {  	s29 =	sadd.s32 $0x2200, s22;
	(ifvalue) =	ssetifvalue $0x7FFFFFFF  }
0x79: {  	v55 =	vadd.s32 $0xF42B00, v1;
	[tilespmem:s29], [sflag:$0x1] =	stream.indirect_vreg.gather [hbm4b:s2+s13], $0x1, v2, vm0, $0x4038;
	[tilespmem:$0x8400] =	vst v63  }
0x7a: {  	v2 =	vnsel vm1, $0x7FFFFFFF, v55;
	(ifvalue) =	ssetifvalue $0x7FFFFFFF  }
0x7b: {  	s30 =	sadd.s32 $0x2280, s22;
	(ifvalue) =	ssetifvalue $0x7FFFFFFF  }
0x7c: {  	v56 =	vadd.s32 $0xF42B80, v1;
	[tilespmem:s30], [sflag:$0x1] =	stream.indirect_vreg.gather [hbm4b:s2+s13], $0x1, v3, vm0, $0x4038;
	[tilespmem:$0x8400] =	vst v63  }
0x7d: {  	v3 =	vnsel vm1, $0x7FFFFFFF, v56;
	(ifvalue) =	ssetifvalue $0x7FFFFFFF  }
0x7e: {  	s31 =	sadd.s32 $0x2300, s22;
	(ifvalue) =	ssetifvalue $0x7FFFFFFF  }
0x7f: {  	v57 =	vadd.s32 $0x16E3C00, v1;
	[tilespmem:s31], [sflag:$0x1] =	stream.indirect_vreg.gather [hbm4b:s2+s13], $0x1, v2, vm0, $0x4038;
	[tilespmem:$0x8400] =	vst v63  }
0x80: {  	v2 =	vnsel vm1, $0x7FFFFFFF, v57;
	(ifvalue) =	ssetifvalue $0x7FFFFFFF  }
0x81: {  	s23 =	sadd.s32 $0x2380, s22;
	(ifvalue) =	ssetifvalue $0x7FFFFFFF  }
0x82: {  	v58 =	vadd.s32 $0x16E3C80, v1;
	[tilespmem:s23], [sflag:$0x1] =	stream.indirect_vreg.gather [hbm4b:s2+s13], $0x1, v3, vm0, $0x4038;
	[tilespmem:$0x8400] =	vst v63  }
0x83: {  	v3 =	vnsel vm1, $0x7FFFFFFF, v58;
	(ifvalue) =	ssetifvalue $0x7FFFFFFF  }
0x84: {  	s24 =	sadd.s32 $0x3000, s22;
	(ifvalue) =	ssetifvalue $0x7FFFFFFF  }
0x85: {  	v59 =	vadd.s32 $0x16E3D00, v1;
	[tilespmem:s24], [sflag:$0x1] =	stream.indirect_vreg.gather [hbm4b:s2+s13], $0x1, v2, vm0, $0x4038;
	[tilespmem:$0x8400] =	vst v63  }
0x86: {  	v2 =	vnsel vm1, $0x7FFFFFFF, v59;
	(ifvalue) =	ssetifvalue $0x7FFFFFFF  }
0x87: {  	s25 =	sadd.s32 $0x3080, s22;
	(ifvalue) =	ssetifvalue $0x7FFFFFFF  }
0x88: {  	v60 =	vadd.s32 $0x16E3D80, v1;
	[tilespmem:s25], [sflag:$0x1] =	stream.indirect_vreg.gather [hbm4b:s2+s13], $0x1, v3, vm0, $0x4038;
	[tilespmem:$0x8400] =	vst v63  }
0x89: {  	v3 =	vnsel vm1, $0x7FFFFFFF, v60;
	(ifvalue) =	ssetifvalue $0x7FFFFFFF  }
0x8a: {  	s26 =	sadd.s32 $0x3100, s22;
	(ifvalue) =	ssetifvalue $0x7FFFFFFF  }
0x8b: {  	v61 =	vadd.s32 $0x16E3E00, v1;
	[tilespmem:s26], [sflag:$0x1] =	stream.indirect_vreg.gather [hbm4b:s2+s13], $0x1, v2, vm0, $0x4038;
	[tilespmem:$0x8400] =	vst v63  }
0x8c: {  	v2 =	vnsel vm1, $0x7FFFFFFF, v61;
	(ifvalue) =	ssetifvalue $0x7FFFFFFF  }
0x8d: {  	s28 =	sadd.s32 $0x3180, s22;
	(ifvalue) =	ssetifvalue $0x7FFFFFFF  }
0x8e: {  	v62 =	vadd.s32 $0x16E3E80, v1;
	[tilespmem:s28], [sflag:$0x1] =	stream.indirect_vreg.gather [hbm4b:s2+s13], $0x1, v3, vm0, $0x4038;
	[tilespmem:$0x8400] =	vst v63  }
0x8f: {  	v3 =	vnsel vm1, $0x7FFFFFFF, v62;
	(ifvalue) =	ssetifvalue $0x7FFFFFFF  }
0x90: {  	s29 =	sadd.s32 $0x3200, s22;
	(ifvalue) =	ssetifvalue $0x7FFFFFFF  }
0x91: {  	v63 =	vadd.s32 $0x16E3F00, v1;
	[tilespmem:s29], [sflag:$0x1] =	stream.indirect_vreg.gather [hbm4b:s2+s13], $0x1, v2, vm0, $0x4038;
	[tilespmem:$0x8400] =	vst v63  }
0x92: {  	v2 =	vnsel vm1, $0x7FFFFFFF, v63;
	(ifvalue) =	ssetifvalue $0x7FFFFFFF  }
0x93: {  	s30 =	sadd.s32 $0x3280, s22;
	(ifvalue) =	ssetifvalue $0x7FFFFFFF  }
0x94: {  	v1 =	vadd.s32 $0x16E3F80, v1;
	[tilespmem:s30], [sflag:$0x1] =	stream.indirect_vreg.gather [hbm4b:s2+s13], $0x1, v3, vm0, $0x4038;
	[tilespmem:$0x8400] =	vst v63  }
0x95: {  	v1 =	vnsel vm1, $0x7FFFFFFF, v1;
	(ifvalue) =	ssetifvalue $0x7FFFFFFF  }
0x96: {  	s20 =	sadd.s32 $0x10, s20;
	s31 =	sadd.s32 $0x3300, s22;
	(ifvalue) =	ssetifvalue $0x7FFFFFFF  }
0x97: {  	[tilespmem:s31], [sflag:$0x1] =	stream.indirect_vreg.gather [hbm4b:s2+s13], $0x1, v2, vm0, $0x4038;
	[tilespmem:$0x8400] =	vst v63  }
0x98: {  	s21 =	sadd.s32 $0xFFFFFFF0, s21;
	s19 =	simm.s32 $0x80;
	(ifvalue) =	ssetifvalue $0x7FFFFFFF  }
0x99: {  	s23 =	sadd.s32 $0x3380, s22;
	s22 =	simm.s32 $0x10;
	(ifvalue) =	ssetifvalue $0x7FFFFFFF  }
.LBB2_3:
0x9a: {  	[tilespmem:s23], [sflag:$0x1] =	stream.indirect_vreg.gather [hbm4b:s2+s13], $0x1, v1, vm0, $0x4038;
	[tilespmem:$0x8400] =	vst v63  }
0x9b: {  	p1 =	sne.s32 s19, $0xF80;
	s24 =	smov.u32 s19;
	s19 =	sadd.s32 $0x80, s19;
	v1 =	vld.msk [tilespmem:s20+$0x0 ss:$0x1], $0xffff  }
0x9c: {  	(ifvalue) =	ssetifvalue $0x7FFFFFFF;
	_ =	sdelay $0x3  }
0x9d: {  	vm1 =	vgt.s32 v1, $0x0  }
0x9e: {  	p2 =	sgt.s32 s21, $0x0;
	s23 =	smov.u32 s21;
	v1 =	vnsel vm1, $0x0, v1  }
0x9f: {  	s23 =	simm.s32 @!p2 $0x0;
	v1 =	vmin.u32 v1, $0xF423F  }
0xa0: {  	s23 =	smin.u32 s23, $0x10;
	v2 =	vshll.u32 v1, $0x3  }
0xa1: {  	v3 =	vmov s23;
	v1 =	vand.u32 $0x7F, v1;
	v2 =	vand.u32 $0x7FFC00, v2  }
0xa2: {  	vm1 =	vgt.u32 v3, v0;
	v1 =	vor.u32 v1, v2  }
0xa3: {  	v2 =	vnsel vm1, $0x7FFFFFFF, v1;
	v3 =	vor.u32 $0x80, v1  }
0xa4: {  	v4 =	vor.u32 $0x100, v1;
	v5 =	vor.u32 $0x180, v1;
	v6 =	vor.u32 $0x200, v1  }
0xa5: {  	v7 =	vor.u32 $0x280, v1;
	v8 =	vor.u32 $0x300, v1;
	v9 =	vor.u32 $0x380, v1  }
0xa6: {  	s23 =	sand.u32 $0xC00, s24;
	v5 =	vnsel vm1, $0x7FFFFFFF, v5;
	v6 =	vnsel vm1, $0x7FFFFFFF, v6;
	v7 =	vnsel vm1, $0x7FFFFFFF, v7  }
0xa7: {  	s25 =	sand.u32 $0x70, s22;
	s23 =	sadd.s32 s23, s18;
	v3 =	vnsel vm1, $0x7FFFFFFF, v3;
	v16 =	vnsel vm1, $0x7FFFFFFF, v8;
	v8 =	vadd.s32 $0x7A1400, v1  }
0xa8: {  	s23 =	sadd.s32 s25, s23;
	v17 =	vnsel vm1, $0x7FFFFFFF, v9;
	v18 =	vnsel vm1, $0x7FFFFFFF, v8;
	(ifvalue) =	ssetifvalue $0x7FFFFFFF  }
0xa9: {  	v8 =	vadd.s32 $0x7A1500, v1;
	[tilespmem:s23], [sflag:$0x1] =	stream.indirect_vreg.gather [hbm4b:s2+s13], $0x1, v2, vm0, $0x4038;
	v2 =	vadd.s32 $0x7A1480, v1;
	[tilespmem:$0x8400] =	vst v63  }
0xaa: {  	v4 =	vnsel vm1, $0x7FFFFFFF, v4;
	v20 =	vnsel vm1, $0x7FFFFFFF, v8;
	(ifvalue) =	ssetifvalue $0x7FFFFFFF;
	v19 =	vnsel vm1, $0x7FFFFFFF, v2  }
0xab: {  	s25 =	sadd.s32 $0x80, s23;
	v8 =	vadd.s32 $0x7A1600, v1;
	v2 =	vadd.s32 $0x7A1580, v1;
	(ifvalue) =	ssetifvalue $0x7FFFFFFF  }
0xac: {  	v22 =	vnsel vm1, $0x7FFFFFFF, v8;
	v21 =	vnsel vm1, $0x7FFFFFFF, v2;
	v2 =	vadd.s32 $0x7A1680, v1;
	[tilespmem:s25], [sflag:$0x1] =	stream.indirect_vreg.gather [hbm4b:s2+s13], $0x1, v3, vm0, $0x4038;
	[tilespmem:$0x8400] =	vst v63  }
0xad: {  	v23 =	vnsel vm1, $0x7FFFFFFF, v2;
	v2 =	vadd.s32 $0x7A1700, v1;
	v3 =	vadd.s32 $0xF42880, v1  }
0xae: {  	(ifvalue) =	ssetifvalue $0x7FFFFFFF;
	v24 =	vnsel vm1, $0x7FFFFFFF, v2;
	v2 =	vadd.s32 $0x7A1780, v1;
	v15 =	vnsel vm1, $0x7FFFFFFF, v3  }
0xaf: {  	s25 =	sadd.s32 $0x100, s23;
	v3 =	vadd.s32 $0xF42A00, v1;
	(ifvalue) =	ssetifvalue $0x7FFFFFFF;
	v25 =	vnsel vm1, $0x7FFFFFFF, v2;
	v2 =	vadd.s32 $0xF42800, v1  }
0xb0: {  	v12 =	vnsel vm1, $0x7FFFFFFF, v3;
	v3 =	vadd.s32 $0x16E3C00, v1;
	[tilespmem:s25], [sflag:$0x1] =	stream.indirect_vreg.gather [hbm4b:s2+s13], $0x1, v4, vm0, $0x4038;
	[tilespmem:$0x8400] =	vst v63  }
0xb1: {  	v26 =	vnsel vm1, $0x7FFFFFFF, v2;
	v2 =	vadd.s32 $0xF42900, v1;
	s25 =	sadd.s32 $0x180, s23;
	(ifvalue) =	ssetifvalue $0x7FFFFFFF  }
0xb2: {  	v4 =	vadd.s32 $0xF42A80, v1;
	v13 =	vnsel vm1, $0x7FFFFFFF, v2;
	(ifvalue) =	ssetifvalue $0x7FFFFFFF  }
0xb3: {  	v8 =	vnsel vm1, $0x7FFFFFFF, v3;
	v2 =	vadd.s32 $0xF42980, v1;
	[tilespmem:s25], [sflag:$0x1] =	stream.indirect_vreg.gather [hbm4b:s2+s13], $0x1, v5, vm0, $0x4038;
	[tilespmem:$0x8400] =	vst v63  }
0xb4: {  	v3 =	vadd.s32 $0x16E3D80, v1;
	v10 =	vnsel vm1, $0x7FFFFFFF, v4;
	v14 =	vnsel vm1, $0x7FFFFFFF, v2;
	(ifvalue) =	ssetifvalue $0x7FFFFFFF  }
0xb5: {  	v2 =	vadd.s32 $0xF42B00, v1;
	s25 =	sadd.s32 $0x200, s23;
	(ifvalue) =	ssetifvalue $0x7FFFFFFF  }
0xb6: {  	v11 =	vnsel vm1, $0x7FFFFFFF, v2;
	v2 =	vadd.s32 $0xF42B80, v1;
	[tilespmem:s25], [sflag:$0x1] =	stream.indirect_vreg.gather [hbm4b:s2+s13], $0x1, v6, vm0, $0x4038;
	[tilespmem:$0x8400] =	vst v63  }
0xb7: {  	v4 =	vadd.s32 $0x16E3E00, v1;
	v9 =	vnsel vm1, $0x7FFFFFFF, v2;
	v2 =	vadd.s32 $0x16E3C80, v1;
	(ifvalue) =	ssetifvalue $0x7FFFFFFF  }
0xb8: {  	s25 =	sadd.s32 $0x280, s23;
	v6 =	vnsel vm1, $0x7FFFFFFF, v2;
	(ifvalue) =	ssetifvalue $0x7FFFFFFF  }
0xb9: {  	v5 =	vnsel vm1, $0x7FFFFFFF, v3;
	v2 =	vadd.s32 $0x16E3D00, v1;
	[tilespmem:s25], [sflag:$0x1] =	stream.indirect_vreg.gather [hbm4b:s2+s13], $0x1, v7, vm0, $0x4038;
	[tilespmem:$0x8400] =	vst v63  }
0xba: {  	v3 =	vadd.s32 $0x16E3E80, v1;
	v7 =	vnsel vm1, $0x7FFFFFFF, v2;
	v2 =	vnsel vm1, $0x7FFFFFFF, v4;
	(ifvalue) =	ssetifvalue $0x7FFFFFFF  }
0xbb: {  	s24 =	sor.u32 s24, s22;
	s25 =	sadd.s32 $0x300, s23;
	v4 =	vnsel vm1, $0x7FFFFFFF, v3;
	(ifvalue) =	ssetifvalue $0x7FFFFFFF  }
0xbc: {  	v3 =	vadd.s32 $0x16E3F00, v1;
	v1 =	vadd.s32 $0x16E3F80, v1;
	[tilespmem:s25], [sflag:$0x1] =	stream.indirect_vreg.gather [hbm4b:s2+s13], $0x1, v16, vm0, $0x4038;
	[tilespmem:$0x8400] =	vst v63  }
0xbd: {  	s24 =	sor.u32 $0x380, s24;
	v3 =	vnsel vm1, $0x7FFFFFFF, v3;
	v1 =	vnsel vm1, $0x7FFFFFFF, v1;
	(ifvalue) =	ssetifvalue $0x7FFFFFFF  }
0xbe: {  	s24 =	sadd.s32 s24, s18;
	(ifvalue) =	ssetifvalue $0x7FFFFFFF  }
0xbf: {  	[tilespmem:s24], [sflag:$0x1] =	stream.indirect_vreg.gather [hbm4b:s2+s13], $0x1, v17, vm0, $0x4038;
	[tilespmem:$0x8400] =	vst v63  }
0xc0: {  	(ifvalue) =	ssetifvalue $0x7FFFFFFF  }
0xc1: {  	s24 =	sadd.s32 $0x1000, s23;
	(ifvalue) =	ssetifvalue $0x7FFFFFFF  }
0xc2: {  	[tilespmem:s24], [sflag:$0x1] =	stream.indirect_vreg.gather [hbm4b:s2+s13], $0x1, v18, vm0, $0x4038;
	[tilespmem:$0x8400] =	vst v63  }
0xc3: {  	(ifvalue) =	ssetifvalue $0x7FFFFFFF  }
0xc4: {  	s24 =	sadd.s32 $0x1080, s23;
	(ifvalue) =	ssetifvalue $0x7FFFFFFF  }
0xc5: {  	[tilespmem:s24], [sflag:$0x1] =	stream.indirect_vreg.gather [hbm4b:s2+s13], $0x1, v19, vm0, $0x4038;
	[tilespmem:$0x8400] =	vst v63  }
0xc6: {  	(ifvalue) =	ssetifvalue $0x7FFFFFFF  }
0xc7: {  	s24 =	sadd.s32 $0x1100, s23;
	(ifvalue) =	ssetifvalue $0x7FFFFFFF  }
0xc8: {  	[tilespmem:s24], [sflag:$0x1] =	stream.indirect_vreg.gather [hbm4b:s2+s13], $0x1, v20, vm0, $0x4038;
	[tilespmem:$0x8400] =	vst v63  }
0xc9: {  	(ifvalue) =	ssetifvalue $0x7FFFFFFF  }
0xca: {  	s24 =	sadd.s32 $0x1180, s23;
	(ifvalue) =	ssetifvalue $0x7FFFFFFF  }
0xcb: {  	[tilespmem:s24], [sflag:$0x1] =	stream.indirect_vreg.gather [hbm4b:s2+s13], $0x1, v21, vm0, $0x4038;
	[tilespmem:$0x8400] =	vst v63  }
0xcc: {  	(ifvalue) =	ssetifvalue $0x7FFFFFFF  }
0xcd: {  	s24 =	sadd.s32 $0x1200, s23;
	(ifvalue) =	ssetifvalue $0x7FFFFFFF  }
0xce: {  	[tilespmem:s24], [sflag:$0x1] =	stream.indirect_vreg.gather [hbm4b:s2+s13], $0x1, v22, vm0, $0x4038;
	[tilespmem:$0x8400] =	vst v63  }
0xcf: {  	(ifvalue) =	ssetifvalue $0x7FFFFFFF  }
0xd0: {  	s24 =	sadd.s32 $0x1280, s23;
	(ifvalue) =	ssetifvalue $0x7FFFFFFF  }
0xd1: {  	[tilespmem:s24], [sflag:$0x1] =	stream.indirect_vreg.gather [hbm4b:s2+s13], $0x1, v23, vm0, $0x4038;
	[tilespmem:$0x8400] =	vst v63  }
0xd2: {  	(ifvalue) =	ssetifvalue $0x7FFFFFFF  }
0xd3: {  	s24 =	sadd.s32 $0x1300, s23;
	(ifvalue) =	ssetifvalue $0x7FFFFFFF  }
0xd4: {  	[tilespmem:s24], [sflag:$0x1] =	stream.indirect_vreg.gather [hbm4b:s2+s13], $0x1, v24, vm0, $0x4038;
	[tilespmem:$0x8400] =	vst v63  }
0xd5: {  	(ifvalue) =	ssetifvalue $0x7FFFFFFF  }
0xd6: {  	s24 =	sadd.s32 $0x1380, s23;
	(ifvalue) =	ssetifvalue $0x7FFFFFFF  }
0xd7: {  	[tilespmem:s24], [sflag:$0x1] =	stream.indirect_vreg.gather [hbm4b:s2+s13], $0x1, v25, vm0, $0x4038;
	[tilespmem:$0x8400] =	vst v63  }
0xd8: {  	(ifvalue) =	ssetifvalue $0x7FFFFFFF  }
0xd9: {  	s24 =	sadd.s32 $0x2000, s23;
	(ifvalue) =	ssetifvalue $0x7FFFFFFF  }
0xda: {  	[tilespmem:s24], [sflag:$0x1] =	stream.indirect_vreg.gather [hbm4b:s2+s13], $0x1, v26, vm0, $0x4038;
	[tilespmem:$0x8400] =	vst v63  }
0xdb: {  	(ifvalue) =	ssetifvalue $0x7FFFFFFF  }
0xdc: {  	s24 =	sadd.s32 $0x2080, s23;
	(ifvalue) =	ssetifvalue $0x7FFFFFFF  }
0xdd: {  	[tilespmem:s24], [sflag:$0x1] =	stream.indirect_vreg.gather [hbm4b:s2+s13], $0x1, v15, vm0, $0x4038;
	[tilespmem:$0x8400] =	vst v63  }
0xde: {  	(ifvalue) =	ssetifvalue $0x7FFFFFFF  }
0xdf: {  	s24 =	sadd.s32 $0x2100, s23;
	(ifvalue) =	ssetifvalue $0x7FFFFFFF  }
0xe0: {  	[tilespmem:s24], [sflag:$0x1] =	stream.indirect_vreg.gather [hbm4b:s2+s13], $0x1, v13, vm0, $0x4038;
	[tilespmem:$0x8400] =	vst v63  }
0xe1: {  	(ifvalue) =	ssetifvalue $0x7FFFFFFF  }
0xe2: {  	s24 =	sadd.s32 $0x2180, s23;
	(ifvalue) =	ssetifvalue $0x7FFFFFFF  }
0xe3: {  	[tilespmem:s24], [sflag:$0x1] =	stream.indirect_vreg.gather [hbm4b:s2+s13], $0x1, v14, vm0, $0x4038;
	[tilespmem:$0x8400] =	vst v63  }
0xe4: {  	(ifvalue) =	ssetifvalue $0x7FFFFFFF  }
0xe5: {  	s24 =	sadd.s32 $0x2200, s23;
	(ifvalue) =	ssetifvalue $0x7FFFFFFF  }
0xe6: {  	[tilespmem:s24], [sflag:$0x1] =	stream.indirect_vreg.gather [hbm4b:s2+s13], $0x1, v12, vm0, $0x4038;
	[tilespmem:$0x8400] =	vst v63  }
0xe7: {  	(ifvalue) =	ssetifvalue $0x7FFFFFFF  }
0xe8: {  	s24 =	sadd.s32 $0x2280, s23;
	(ifvalue) =	ssetifvalue $0x7FFFFFFF  }
0xe9: {  	[tilespmem:s24], [sflag:$0x1] =	stream.indirect_vreg.gather [hbm4b:s2+s13], $0x1, v10, vm0, $0x4038;
	[tilespmem:$0x8400] =	vst v63  }
0xea: {  	(ifvalue) =	ssetifvalue $0x7FFFFFFF  }
0xeb: {  	s24 =	sadd.s32 $0x2300, s23;
	(ifvalue) =	ssetifvalue $0x7FFFFFFF  }
0xec: {  	[tilespmem:s24], [sflag:$0x1] =	stream.indirect_vreg.gather [hbm4b:s2+s13], $0x1, v11, vm0, $0x4038;
	[tilespmem:$0x8400] =	vst v63  }
0xed: {  	(ifvalue) =	ssetifvalue $0x7FFFFFFF  }
0xee: {  	s24 =	sadd.s32 $0x2380, s23;
	(ifvalue) =	ssetifvalue $0x7FFFFFFF  }
0xef: {  	[tilespmem:s24], [sflag:$0x1] =	stream.indirect_vreg.gather [hbm4b:s2+s13], $0x1, v9, vm0, $0x4038;
	[tilespmem:$0x8400] =	vst v63  }
0xf0: {  	(ifvalue) =	ssetifvalue $0x7FFFFFFF  }
0xf1: {  	s24 =	sadd.s32 $0x3000, s23;
	(ifvalue) =	ssetifvalue $0x7FFFFFFF  }
0xf2: {  	[tilespmem:s24], [sflag:$0x1] =	stream.indirect_vreg.gather [hbm4b:s2+s13], $0x1, v8, vm0, $0x4038;
	[tilespmem:$0x8400] =	vst v63  }
0xf3: {  	(ifvalue) =	ssetifvalue $0x7FFFFFFF  }
0xf4: {  	s24 =	sadd.s32 $0x3080, s23;
	(ifvalue) =	ssetifvalue $0x7FFFFFFF  }
0xf5: {  	[tilespmem:s24], [sflag:$0x1] =	stream.indirect_vreg.gather [hbm4b:s2+s13], $0x1, v6, vm0, $0x4038;
	[tilespmem:$0x8400] =	vst v63  }
0xf6: {  	(ifvalue) =	ssetifvalue $0x7FFFFFFF  }
0xf7: {  	s24 =	sadd.s32 $0x3100, s23;
	(ifvalue) =	ssetifvalue $0x7FFFFFFF  }
0xf8: {  	[tilespmem:s24], [sflag:$0x1] =	stream.indirect_vreg.gather [hbm4b:s2+s13], $0x1, v7, vm0, $0x4038;
	[tilespmem:$0x8400] =	vst v63  }
0xf9: {  	(ifvalue) =	ssetifvalue $0x7FFFFFFF  }
0xfa: {  	s24 =	sadd.s32 $0x3180, s23;
	(ifvalue) =	ssetifvalue $0x7FFFFFFF  }
0xfb: {  	[tilespmem:s24], [sflag:$0x1] =	stream.indirect_vreg.gather [hbm4b:s2+s13], $0x1, v5, vm0, $0x4038;
	[tilespmem:$0x8400] =	vst v63  }
0xfc: {  	(ifvalue) =	ssetifvalue $0x7FFFFFFF  }
0xfd: {  	s24 =	sadd.s32 $0x3200, s23;
	(ifvalue) =	ssetifvalue $0x7FFFFFFF  }
0xfe: {  	[tilespmem:s24], [sflag:$0x1] =	stream.indirect_vreg.gather [hbm4b:s2+s13], $0x1, v2, vm0, $0x4038;
	[tilespmem:$0x8400] =	vst v63  }
0xff: {  	(ifvalue) =	ssetifvalue $0x7FFFFFFF  }
0x100: {  	s24 =	sadd.s32 $0x3280, s23;
	(ifvalue) =	ssetifvalue $0x7FFFFFFF  }
0x101: {  	[tilespmem:s24], [sflag:$0x1] =	stream.indirect_vreg.gather [hbm4b:s2+s13], $0x1, v4, vm0, $0x4038;
	[tilespmem:$0x8400] =	vst v63  }
.Ltmp3:
0x102: {  	(ifvalue) =	ssetifvalue $0x7FFFFFFF;
	(pc) =	sbr.rel @p1 .LBB2_3-.Ltmp3, $4  }
0x103: {  	s24 =	sadd.s32 $0x3300, s23;
	(ifvalue) =	ssetifvalue $0x7FFFFFFF  }
0x104: {  	[tilespmem:s24], [sflag:$0x1] =	stream.indirect_vreg.gather [hbm4b:s2+s13], $0x1, v3, vm0, $0x4038;
	[tilespmem:$0x8400] =	vst v63  }
0x105: {  	s21 =	sadd.s32 $0xFFFFFFF0, s21;
	s20 =	sadd.s32 $0x10, s20;
	(ifvalue) =	ssetifvalue $0x7FFFFFFF  }
0x106: {  	s22 =	sadd.s32 $0x10, s22;
	s23 =	sadd.s32 $0x3380, s23;
	(ifvalue) =	ssetifvalue $0x7FFFFFFF  }
.Ltmp4:
0x107: {  	_ = 	snop;
	(pc) =	sbr.rel .LBB2_4-.Ltmp4, $1  }
0x108: {  	_ =	sdelay $0x3  }
.LBB2_6:
0x109: {  	_ =	sfence.sel $0x180000  }
0x10a: {  	s2 =	simm.s32 $0x2;
	[bflag:$0x0] =	sbarrier.arrive $0xFFFF  }
0x10b: {  	s30 =	simm.s32 $0x3;
	[sflag:s2] =	ssyncpa.u1 $0x1  }
0x10c: {  	s31 =	simm.s32 $0x1;
	[sflag:s30] =	ssyncpa.u1 $0x1  }
0x10d: {  	[sflag:s31] =	ssyncpa.u1 $0x1  }
0x10e: {  	p0 =	sne.s32 s1, $0x0;
	_ =	strace $0x90000047  }
0x10f: {  	s0 =	sadd.s32 @!p0 $0x100000, s0;
	[bflag:$0x2] =	sbarrier.arrive $0xFFFF  }
0x110: {  	[sflag:s0] =	ssyncadd.tile.s32 @!p0 $0x1;
	_ =	shalt  }
.Lfunc_end2:
_tile_overlayer_lowered:
.L_overlay_start_2:
0x111: {  	(tag) =	ssettag $0x2  }
0x112: {  	s0 =	rddreg [dreg:$0x0];
	s2 =	stileid.u32  }
0x113: {  	s1 =	rddreg [dreg:$0x1];
	p0 =	sne.s32 s2, $0x0  }
0x114: {  	s3 =	rddreg [dreg:$0x2];
	[bflag:$0x3] =	sbarrier.arrive $0xFFFF;
	s2 =	simm.s32 @!p0 $0x1C01  }
0x115: {  	[timem:s3], [sflag:s2] =	dma.local @!p0 [hbm:s0], s1  }
0x116: {  	s0 =	simm.s32 @!p0 $0x1  }
0x117: {  	_ =	swait.ge @!p0 [sflag:s0], s1  }
0x118: {  	s1 =	ssub.s32 @!p0 $0x0, s1;
	[sflag:s0] =	ssyncset.done @!p0 $0x0  }
0x119: {  	[sflag:s0] =	ssyncadd.s32 @!p0 s1  }
0x11a: {  	[bflag:$0x3] =	sbarrier.arrive $0xFFFF  }
0x11b: {  	_ =	shalt  }

</sc_bundles>
